<compile_context>
chip_gen: v7x
topology: tpu7x:2x2x1
jax: 0.10.2.dev20260603
libtpu: 0.0.44.dev20260713+nightly
codegen_flags: <defaults>
</compile_context>

<pallas_src>
import functools

import jax
import jax.numpy as jnp
from jax import lax
from jax.experimental import pallas as pl
from jax.experimental.pallas import tpu as pltpu
from jax.experimental.pallas import tpu_sc as plsc

K = 8192
D = 32
N = 16384
COMMIT = 0.25

ROW_BLK = 512
COL_BLK = 2048


def _argmin_body(x_ref, w_ref, idx_ref, w2_ref):
    @pl.when(pl.program_id(0) == 0)
    def _():
        w = w_ref[...]
        w2_ref[...] = jnp.sum(w * w, axis=1)

    x = x_ref[...]
    x2 = jnp.sum(x * x, axis=1)
    colf = lax.broadcasted_iota(jnp.int32, (ROW_BLK, COL_BLK), 1
                                ).astype(jnp.float32)
    run_min = None
    run_idx = None
    for c in range(K // COL_BLK):
        w = w_ref[c * COL_BLK:(c + 1) * COL_BLK, :]
        w2 = w2_ref[c * COL_BLK:(c + 1) * COL_BLK]
        m = lax.dot_general(x, w, (((1,), (1,)), ((), ())),
                            preferred_element_type=jnp.float32)
        d = (x2[:, None] + w2[None, :]) - 2.0 * m
        cmin = jnp.min(d, axis=1)
        cidx = jnp.min(jnp.where(d == cmin[:, None], colf,
                                 jnp.float32(COL_BLK)),
                       axis=1) + jnp.float32(c * COL_BLK)
        if run_min is None:
            run_min, run_idx = cmin, cidx
        else:
            take = cmin < run_min
            run_idx = jnp.where(take, cidx, run_idx)
            run_min = jnp.minimum(cmin, run_min)
    idx_ref[...] = run_idx.astype(jnp.int32)


def _argmin_indices(xf, weight):
    return pl.pallas_call(
        _argmin_body,
        grid=(N // ROW_BLK,),
        in_specs=[
            pl.BlockSpec((ROW_BLK, D), lambda i: (i, 0)),
            pl.BlockSpec((K, D), lambda i: (0, 0)),
        ],
        out_specs=pl.BlockSpec((ROW_BLK,), lambda i: (i,)),
        out_shape=jax.ShapeDtypeStruct((N,), jnp.int32),
        scratch_shapes=[pltpu.VMEM((K,), jnp.float32)],
    )(xf, weight)


_NC = 2
_NS = 16
_NW = _NC * _NS
_BPW = N // _NW
_ICH = 128
_NCH = _BPW // _ICH


def _gather_hist_body(w_hbm, idx_hbm, q_hbm, cnt_hbm,
                      idx_v, rows_v, ones_v, zcnt_v, shared_cnt, sem):
    c = lax.axis_index("c")
    s = lax.axis_index("s")
    wid = c * _NS + s
    base = wid * _BPW

    pltpu.sync_copy(idx_hbm.at[pl.ds(wid * _NCH, _NCH), :], idx_v)

    copies = []
    for j in range(_NCH):
        copies.append(pltpu.async_copy(
            w_hbm.at[idx_v.at[j]],
            rows_v.at[pl.ds(j * _ICH, _ICH), :], sem))
    for cp in copies:
        cp.wait()
    pltpu.sync_copy(rows_v, q_hbm.at[pl.ds(base, _BPW)])

    zslice = K // _NS
    def _zero(i, _):
        zcnt_v[pl.ds(i * 16, 16)] = jnp.zeros((16,), jnp.float32)
        return 0
    lax.fori_loop(0, zslice // 16, _zero, 0)
    def _one(i, _):
        ones_v[pl.ds(i * 16, 16)] = jnp.ones((16,), jnp.float32)
        return 0
    lax.fori_loop(0, _ICH // 16, _one, 0)
    pltpu.sync_copy(zcnt_v, shared_cnt.at[pl.ds(s * zslice, zslice)])
    plsc.subcore_barrier()

    for j in range(_NCH):
        pltpu.sync_copy(ones_v, shared_cnt.at[idx_v.at[j]], add=True)
    plsc.subcore_barrier()

    pltpu.sync_copy(shared_cnt.at[pl.ds(s * zslice, zslice)], zcnt_v)
    pltpu.sync_copy(zcnt_v, cnt_hbm.at[wid])


@functools.cache
def _gather_hist_kernel():
    return pl.kernel(
        _gather_hist_body,
        out_type=(jax.ShapeDtypeStruct((N, D), jnp.float32),
                  jax.ShapeDtypeStruct((_NW, K // _NS), jnp.float32)),
        mesh=plsc.VectorSubcoreMesh(core_axis_name="c", subcore_axis_name="s"),
        scratch_types=[
            pltpu.VMEM((_NCH, _ICH), jnp.int32),
            pltpu.VMEM((_BPW, D), jnp.float32),
            pltpu.VMEM((_ICH,), jnp.float32),
            pltpu.VMEM((K // _NS,), jnp.float32),
            pltpu.VMEM_SHARED((K,), jnp.float32),
            pltpu.SemaphoreType.DMA,
        ],
        compiler_params=pltpu.CompilerParams(use_tc_tiling_on_sc=False),
    )


_FR, _FC = (N * D) // 128, 128


def _final_body(x_ref, q_ref, cnt_ref, qst_ref, loss_ref, perp_ref):
    x = x_ref[...]
    q = q_ref[...].astype(jnp.bfloat16).astype(jnp.float32)
    diff = q - x
    qst_ref[...] = x + diff
    m = jnp.sum(diff * diff) / jnp.float32(N * D)
    loss_ref[...] = jnp.broadcast_to(m + COMMIT * m, (1, 1))
    counts = cnt_ref[:_NS, :] + cnt_ref[_NS:, :]
    p = counts / jnp.float32(N)
    ent = jnp.sum(p * jnp.log(p + 1e-10))
    perp_ref[...] = jnp.broadcast_to(jnp.exp(-ent), (1, 1))


def _finalize(xf, q, counts):
    return pl.pallas_call(
        _final_body,
        in_specs=[
            pl.BlockSpec((_FR, _FC), lambda: (0, 0)),
            pl.BlockSpec((_FR, _FC), lambda: (0, 0)),
            pl.BlockSpec((_NW, K // _NS), lambda: (0, 0)),
        ],
        out_specs=[
            pl.BlockSpec((_FR, _FC), lambda: (0, 0)),
            pl.BlockSpec((1, 1), lambda: (0, 0)),
            pl.BlockSpec((1, 1), lambda: (0, 0)),
        ],
        out_shape=[
            jax.ShapeDtypeStruct((_FR, _FC), jnp.float32),
            jax.ShapeDtypeStruct((1, 1), jnp.float32),
            jax.ShapeDtypeStruct((1, 1), jnp.float32),
        ],
    )(xf, q, counts)


def kernel(inputs, weight):
    xf = inputs.reshape(N, D)
    idx = _argmin_indices(xf, weight)
    q, counts = _gather_hist_kernel()(weight, idx.reshape(N // _ICH, _ICH))
    qst, loss, perp = _finalize(xf.reshape(_FR, _FC), q.reshape(_FR, _FC),
                                counts)
    return (qst.reshape(inputs.shape), loss[0, 0], perp[0, 0])

# --- scband reference (transcript-rebuilt; emitter-appended) ---
"""Pipeline reference for scband-vector-quantizer-3169685864681 (READ-ONLY COPY).

The authoritative reference and input builder live on the scoring server;
editing this copy changes nothing except your own understanding.
"""

import jax, jax.numpy as jnp
import numpy as np

NUM_EMBEDDINGS = 8192
EMBEDDING_DIM = 32
COMMITMENT_COST = 0.25


def setup_inputs(seed: int = 0) -> dict:
    key = jax.random.key(seed)
    k1, k2 = jax.random.split(key)
    inputs = jax.random.normal(k1, (16, 1024, 32), dtype=jnp.float32)
    # embedding weight initialized uniform(-1/K, 1/K) as in the torch module
    weight = jax.random.uniform(
        k2, (NUM_EMBEDDINGS, EMBEDDING_DIM), dtype=jnp.float32,
        minval=-1.0 / NUM_EMBEDDINGS, maxval=1.0 / NUM_EMBEDDINGS)
    return {"inputs": inputs, "weight": weight}


def reference(inputs, weight):
    inputs_flattened = inputs.reshape(-1, EMBEDDING_DIM)
    distances = (
        jnp.sum(inputs_flattened ** 2, axis=1, keepdims=True)
        + jnp.sum(weight ** 2, axis=1)
        - 2.0 * jnp.matmul(inputs_flattened, weight.T)
    )
    encoding_indices = jnp.argmin(distances, axis=1)
    encodings = jax.nn.one_hot(encoding_indices, NUM_EMBEDDINGS, dtype=inputs.dtype)
    quantized = jnp.matmul(encodings, weight).reshape(inputs.shape)
    e_latent_loss = jnp.mean((jax.lax.stop_gradient(quantized) - inputs) ** 2)
    q_latent_loss = jnp.mean((quantized - jax.lax.stop_gradient(inputs)) ** 2)
    loss = q_latent_loss + COMMITMENT_COST * e_latent_loss
    quantized_st = inputs + jax.lax.stop_gradient(quantized - inputs)
    avg_probs = jnp.mean(encodings, axis=0)
    perplexity = jnp.exp(-jnp.sum(avg_probs * jnp.log(avg_probs + 1e-10)))
    return (quantized_st, loss, perplexity)

if __name__ == "__main__":
    import jax
    _d = setup_inputs()
    print(jax.jit(kernel)(*tuple(_d.values())))

</pallas_src>

<mosaic_0001>
#map = affine_map<(d0, d1) -> (0, 0)>
module attributes {stable_mosaic.version = 14 : i64} {
  func.func @_gather_hist_body(%arg0: i32, %arg1: i32, %arg2: memref<8192x32xf32, #tpu.memory_space<hbm>>, %arg3: memref<128x128xi32, #tpu.memory_space<hbm>>, %arg4: memref<16384x32xf32, #tpu.memory_space<hbm>>, %arg5: memref<32x512xf32, #tpu.memory_space<hbm>>, %arg6: memref<4x128xi32, #tpu.memory_space<vmem>>, %arg7: memref<512x32xf32, #tpu.memory_space<vmem>>, %arg8: memref<128xf32, #tpu.memory_space<vmem>>, %arg9: memref<512xf32, #tpu.memory_space<vmem>>, %arg10: memref<8192xf32, #tpu.memory_space<vmem_shared>>, %arg11: memref<!tpu.dma_semaphore, #tpu.memory_space<semaphore_mem>>) attributes {dimension_semantics = [#tpu.dimension_semantics<core_parallel>, #tpu.dimension_semantics<subcore_parallel>], iteration_bounds = array<i64: 2, 16>, scalar_prefetch = 0 : i64, scratch_operands = 6 : i64, tpu.core_type = #tpu.core_type<sc_vector_subcore>, window_params = [{transform_indices = #map}, {transform_indices = #map}, {transform_indices = #map}, {transform_indices = #map}]} {
    %mul3A = arith.constant 16 : i32
    %mul3A_0 = arith.muli %arg0, %mul3A : i32
    %add3A = arith.addi %mul3A_0, %arg1 : i32
    %mul3A_1 = arith.constant 512 : i32
    %mul3A_2 = arith.muli %add3A, %mul3A_1 : i32
    %mul3A_3 = arith.constant 4 : i32
    %mul3A_4 = arith.muli %add3A, %mul3A_3 : i32
    "tpu.region"() ({
      %run_scoped3A_104 = tpu.sem_alloc : memref<!tpu.dma_semaphore, #tpu.memory_space<semaphore_mem>>
      %dma_start3A_105 = arith.constant 0 : i32
      %dma_start3A_106 = tpu.memref_slice %arg3[%mul3A_4, %dma_start3A_105] : memref<128x128xi32, #tpu.memory_space<hbm>> -> memref<4x128xi32, #tpu.memory_space<hbm>>
      %dma_start3A_107 = arith.constant 0 : i32
      %dma_start3A_108 = tpu.memref_slice %arg3[%mul3A_4, %dma_start3A_107] : memref<128x128xi32, #tpu.memory_space<hbm>> -> memref<4x128xi32, #tpu.memory_space<hbm>>
      tpu.enqueue_dma source(%dma_start3A_108 : memref<4x128xi32, #tpu.memory_space<hbm>>) target(%arg6 : memref<4x128xi32, #tpu.memory_space<vmem>>) target_semaphore(%run_scoped3A_104 : memref<!tpu.dma_semaphore, #tpu.memory_space<semaphore_mem>>)
      %dma_wait3A_109 = arith.constant 0 : i32
      %dma_wait3A_110 = tpu.memref_slice %arg3[%mul3A_4, %dma_wait3A_109] : memref<128x128xi32, #tpu.memory_space<hbm>> -> memref<4x128xi32, #tpu.memory_space<hbm>>
      %dma_wait3A_111 = arith.constant 0 : i32
      %dma_wait3A_112 = tpu.memref_slice %arg3[%mul3A_4, %dma_wait3A_111] : memref<128x128xi32, #tpu.memory_space<hbm>> -> memref<4x128xi32, #tpu.memory_space<hbm>>
      tpu.wait_dma2 semaphore(%run_scoped3A_104 : memref<!tpu.dma_semaphore, #tpu.memory_space<semaphore_mem>>) src(%dma_wait3A_112 : memref<4x128xi32, #tpu.memory_space<hbm>>) dst(%arg6 : memref<4x128xi32, #tpu.memory_space<vmem>>)
      tpu.yield
    }) : () -> ()
    %dma_start3A = arith.constant 0 : i32
    %dma_start3A_5 = arith.constant 0 : i32
    %dma_start3A_6 = arith.constant 0 : i32
    %dma_start3A_7 = tpu.memref_slice %arg7[%dma_start3A_5, %dma_start3A_6] : memref<512x32xf32, #tpu.memory_space<vmem>> -> memref<128x32xf32, #tpu.memory_space<vmem>>
    %dma_start3A_8 = arith.constant 0 : i32
    %dma_start3A_9 = tpu.memref_slice %arg6[%dma_start3A, %dma_start3A_8] : memref<4x128xi32, #tpu.memory_space<vmem>> -> memref<1x128xi32, #tpu.memory_space<vmem>>
    %dma_start3A_10 = tpu.memref_squeeze %dma_start3A_9 : memref<1x128xi32, #tpu.memory_space<vmem>> -> memref<128xi32, #tpu.memory_space<vmem>>
    %dma_start3A_11 = arith.constant 0 : i32
    %dma_start3A_12 = arith.constant 0 : i32
    %dma_start3A_13 = tpu.memref_slice %arg2[%dma_start3A_11, %dma_start3A_12] : memref<8192x32xf32, #tpu.memory_space<hbm>> -> memref<8192x32xf32, #tpu.memory_space<hbm>>
    tpu.enqueue_indirect_dma source(%dma_start3A_13 : memref<8192x32xf32, #tpu.memory_space<hbm>>) target(%dma_start3A_7 : memref<128x32xf32, #tpu.memory_space<vmem>>) offsets(%dma_start3A_10 : memref<128xi32, #tpu.memory_space<vmem>>) semaphore(%arg11 : memref<!tpu.dma_semaphore, #tpu.memory_space<semaphore_mem>>)
    %dma_start3A_14 = arith.constant 1 : i32
    %dma_start3A_15 = arith.constant 128 : i32
    %dma_start3A_16 = arith.constant 0 : i32
    %dma_start3A_17 = tpu.memref_slice %arg7[%dma_start3A_15, %dma_start3A_16] : memref<512x32xf32, #tpu.memory_space<vmem>> -> memref<128x32xf32, #tpu.memory_space<vmem>>
    %dma_start3A_18 = arith.constant 0 : i32
    %dma_start3A_19 = tpu.memref_slice %arg6[%dma_start3A_14, %dma_start3A_18] : memref<4x128xi32, #tpu.memory_space<vmem>> -> memref<1x128xi32, #tpu.memory_space<vmem>>
    %dma_start3A_20 = tpu.memref_squeeze %dma_start3A_19 : memref<1x128xi32, #tpu.memory_space<vmem>> -> memref<128xi32, #tpu.memory_space<vmem>>
    %dma_start3A_21 = arith.constant 0 : i32
    %dma_start3A_22 = arith.constant 0 : i32
    %dma_start3A_23 = tpu.memref_slice %arg2[%dma_start3A_21, %dma_start3A_22] : memref<8192x32xf32, #tpu.memory_space<hbm>> -> memref<8192x32xf32, #tpu.memory_space<hbm>>
    tpu.enqueue_indirect_dma source(%dma_start3A_23 : memref<8192x32xf32, #tpu.memory_space<hbm>>) target(%dma_start3A_17 : memref<128x32xf32, #tpu.memory_space<vmem>>) offsets(%dma_start3A_20 : memref<128xi32, #tpu.memory_space<vmem>>) semaphore(%arg11 : memref<!tpu.dma_semaphore, #tpu.memory_space<semaphore_mem>>)
    %dma_start3A_24 = arith.constant 2 : i32
    %dma_start3A_25 = arith.constant 256 : i32
    %dma_start3A_26 = arith.constant 0 : i32
    %dma_start3A_27 = tpu.memref_slice %arg7[%dma_start3A_25, %dma_start3A_26] : memref<512x32xf32, #tpu.memory_space<vmem>> -> memref<128x32xf32, #tpu.memory_space<vmem>>
    %dma_start3A_28 = arith.constant 0 : i32
    %dma_start3A_29 = tpu.memref_slice %arg6[%dma_start3A_24, %dma_start3A_28] : memref<4x128xi32, #tpu.memory_space<vmem>> -> memref<1x128xi32, #tpu.memory_space<vmem>>
    %dma_start3A_30 = tpu.memref_squeeze %dma_start3A_29 : memref<1x128xi32, #tpu.memory_space<vmem>> -> memref<128xi32, #tpu.memory_space<vmem>>
    %dma_start3A_31 = arith.constant 0 : i32
    %dma_start3A_32 = arith.constant 0 : i32
    %dma_start3A_33 = tpu.memref_slice %arg2[%dma_start3A_31, %dma_start3A_32] : memref<8192x32xf32, #tpu.memory_space<hbm>> -> memref<8192x32xf32, #tpu.memory_space<hbm>>
    tpu.enqueue_indirect_dma source(%dma_start3A_33 : memref<8192x32xf32, #tpu.memory_space<hbm>>) target(%dma_start3A_27 : memref<128x32xf32, #tpu.memory_space<vmem>>) offsets(%dma_start3A_30 : memref<128xi32, #tpu.memory_space<vmem>>) semaphore(%arg11 : memref<!tpu.dma_semaphore, #tpu.memory_space<semaphore_mem>>)
    %dma_start3A_34 = arith.constant 3 : i32
    %dma_start3A_35 = arith.constant 384 : i32
    %dma_start3A_36 = arith.constant 0 : i32
    %dma_start3A_37 = tpu.memref_slice %arg7[%dma_start3A_35, %dma_start3A_36] : memref<512x32xf32, #tpu.memory_space<vmem>> -> memref<128x32xf32, #tpu.memory_space<vmem>>
    %dma_start3A_38 = arith.constant 0 : i32
    %dma_start3A_39 = tpu.memref_slice %arg6[%dma_start3A_34, %dma_start3A_38] : memref<4x128xi32, #tpu.memory_space<vmem>> -> memref<1x128xi32, #tpu.memory_space<vmem>>
    %dma_start3A_40 = tpu.memref_squeeze %dma_start3A_39 : memref<1x128xi32, #tpu.memory_space<vmem>> -> memref<128xi32, #tpu.memory_space<vmem>>
    %dma_start3A_41 = arith.constant 0 : i32
    %dma_start3A_42 = arith.constant 0 : i32
    %dma_start3A_43 = tpu.memref_slice %arg2[%dma_start3A_41, %dma_start3A_42] : memref<8192x32xf32, #tpu.memory_space<hbm>> -> memref<8192x32xf32, #tpu.memory_space<hbm>>
    tpu.enqueue_indirect_dma source(%dma_start3A_43 : memref<8192x32xf32, #tpu.memory_space<hbm>>) target(%dma_start3A_37 : memref<128x32xf32, #tpu.memory_space<vmem>>) offsets(%dma_start3A_40 : memref<128xi32, #tpu.memory_space<vmem>>) semaphore(%arg11 : memref<!tpu.dma_semaphore, #tpu.memory_space<semaphore_mem>>)
    %dma_wait3A = arith.constant 0 : i32
    %dma_wait3A_44 = arith.constant 0 : i32
    %dma_wait3A_45 = arith.constant 0 : i32
    %dma_wait3A_46 = tpu.memref_slice %arg7[%dma_wait3A_44, %dma_wait3A_45] : memref<512x32xf32, #tpu.memory_space<vmem>> -> memref<128x32xf32, #tpu.memory_space<vmem>>
    %dma_wait3A_47 = arith.constant 0 : i32
    %dma_wait3A_48 = tpu.memref_slice %arg6[%dma_wait3A, %dma_wait3A_47] : memref<4x128xi32, #tpu.memory_space<vmem>> -> memref<1x128xi32, #tpu.memory_space<vmem>>
    %dma_wait3A_49 = tpu.memref_squeeze %dma_wait3A_48 : memref<1x128xi32, #tpu.memory_space<vmem>> -> memref<128xi32, #tpu.memory_space<vmem>>
    %dma_wait3A_50 = arith.constant 0 : i32
    %dma_wait3A_51 = arith.constant 0 : i32
    %dma_wait3A_52 = tpu.memref_slice %arg2[%dma_wait3A_50, %dma_wait3A_51] : memref<8192x32xf32, #tpu.memory_space<hbm>> -> memref<8192x32xf32, #tpu.memory_space<hbm>>
    tpu.wait_indirect_dma semaphore(%arg11 : memref<!tpu.dma_semaphore, #tpu.memory_space<semaphore_mem>>) src(%dma_wait3A_52 : memref<8192x32xf32, #tpu.memory_space<hbm>>) dst(%dma_wait3A_46 : memref<128x32xf32, #tpu.memory_space<vmem>>)
    %dma_wait3A_53 = arith.constant 1 : i32
    %dma_wait3A_54 = arith.constant 128 : i32
    %dma_wait3A_55 = arith.constant 0 : i32
    %dma_wait3A_56 = tpu.memref_slice %arg7[%dma_wait3A_54, %dma_wait3A_55] : memref<512x32xf32, #tpu.memory_space<vmem>> -> memref<128x32xf32, #tpu.memory_space<vmem>>
    %dma_wait3A_57 = arith.constant 0 : i32
    %dma_wait3A_58 = tpu.memref_slice %arg6[%dma_wait3A_53, %dma_wait3A_57] : memref<4x128xi32, #tpu.memory_space<vmem>> -> memref<1x128xi32, #tpu.memory_space<vmem>>
    %dma_wait3A_59 = tpu.memref_squeeze %dma_wait3A_58 : memref<1x128xi32, #tpu.memory_space<vmem>> -> memref<128xi32, #tpu.memory_space<vmem>>
    %dma_wait3A_60 = arith.constant 0 : i32
    %dma_wait3A_61 = arith.constant 0 : i32
    %dma_wait3A_62 = tpu.memref_slice %arg2[%dma_wait3A_60, %dma_wait3A_61] : memref<8192x32xf32, #tpu.memory_space<hbm>> -> memref<8192x32xf32, #tpu.memory_space<hbm>>
    tpu.wait_indirect_dma semaphore(%arg11 : memref<!tpu.dma_semaphore, #tpu.memory_space<semaphore_mem>>) src(%dma_wait3A_62 : memref<8192x32xf32, #tpu.memory_space<hbm>>) dst(%dma_wait3A_56 : memref<128x32xf32, #tpu.memory_space<vmem>>)
    %dma_wait3A_63 = arith.constant 2 : i32
    %dma_wait3A_64 = arith.constant 256 : i32
    %dma_wait3A_65 = arith.constant 0 : i32
    %dma_wait3A_66 = tpu.memref_slice %arg7[%dma_wait3A_64, %dma_wait3A_65] : memref<512x32xf32, #tpu.memory_space<vmem>> -> memref<128x32xf32, #tpu.memory_space<vmem>>
    %dma_wait3A_67 = arith.constant 0 : i32
    %dma_wait3A_68 = tpu.memref_slice %arg6[%dma_wait3A_63, %dma_wait3A_67] : memref<4x128xi32, #tpu.memory_space<vmem>> -> memref<1x128xi32, #tpu.memory_space<vmem>>
    %dma_wait3A_69 = tpu.memref_squeeze %dma_wait3A_68 : memref<1x128xi32, #tpu.memory_space<vmem>> -> memref<128xi32, #tpu.memory_space<vmem>>
    %dma_wait3A_70 = arith.constant 0 : i32
    %dma_wait3A_71 = arith.constant 0 : i32
    %dma_wait3A_72 = tpu.memref_slice %arg2[%dma_wait3A_70, %dma_wait3A_71] : memref<8192x32xf32, #tpu.memory_space<hbm>> -> memref<8192x32xf32, #tpu.memory_space<hbm>>
    tpu.wait_indirect_dma semaphore(%arg11 : memref<!tpu.dma_semaphore, #tpu.memory_space<semaphore_mem>>) src(%dma_wait3A_72 : memref<8192x32xf32, #tpu.memory_space<hbm>>) dst(%dma_wait3A_66 : memref<128x32xf32, #tpu.memory_space<vmem>>)
    %dma_wait3A_73 = arith.constant 3 : i32
    %dma_wait3A_74 = arith.constant 384 : i32
    %dma_wait3A_75 = arith.constant 0 : i32
    %dma_wait3A_76 = tpu.memref_slice %arg7[%dma_wait3A_74, %dma_wait3A_75] : memref<512x32xf32, #tpu.memory_space<vmem>> -> memref<128x32xf32, #tpu.memory_space<vmem>>
    %dma_wait3A_77 = arith.constant 0 : i32
    %dma_wait3A_78 = tpu.memref_slice %arg6[%dma_wait3A_73, %dma_wait3A_77] : memref<4x128xi32, #tpu.memory_space<vmem>> -> memref<1x128xi32, #tpu.memory_space<vmem>>
    %dma_wait3A_79 = tpu.memref_squeeze %dma_wait3A_78 : memref<1x128xi32, #tpu.memory_space<vmem>> -> memref<128xi32, #tpu.memory_space<vmem>>
    %dma_wait3A_80 = arith.constant 0 : i32
    %dma_wait3A_81 = arith.constant 0 : i32
    %dma_wait3A_82 = tpu.memref_slice %arg2[%dma_wait3A_80, %dma_wait3A_81] : memref<8192x32xf32, #tpu.memory_space<hbm>> -> memref<8192x32xf32, #tpu.memory_space<hbm>>
    tpu.wait_indirect_dma semaphore(%arg11 : memref<!tpu.dma_semaphore, #tpu.memory_space<semaphore_mem>>) src(%dma_wait3A_82 : memref<8192x32xf32, #tpu.memory_space<hbm>>) dst(%dma_wait3A_76 : memref<128x32xf32, #tpu.memory_space<vmem>>)
    "tpu.region"() ({
      %run_scoped3A_104 = tpu.sem_alloc : memref<!tpu.dma_semaphore, #tpu.memory_space<semaphore_mem>>
      %dma_start3A_105 = arith.constant 0 : i32
      %dma_start3A_106 = tpu.memref_slice %arg4[%mul3A_2, %dma_start3A_105] : memref<16384x32xf32, #tpu.memory_space<hbm>> -> memref<512x32xf32, #tpu.memory_space<hbm>>
      %dma_start3A_107 = arith.constant 0 : i32
      %dma_start3A_108 = tpu.memref_slice %arg4[%mul3A_2, %dma_start3A_107] : memref<16384x32xf32, #tpu.memory_space<hbm>> -> memref<512x32xf32, #tpu.memory_space<hbm>>
      tpu.enqueue_dma source(%arg7 : memref<512x32xf32, #tpu.memory_space<vmem>>) target(%dma_start3A_108 : memref<512x32xf32, #tpu.memory_space<hbm>>) target_semaphore(%run_scoped3A_104 : memref<!tpu.dma_semaphore, #tpu.memory_space<semaphore_mem>>)
      %dma_wait3A_109 = arith.constant 0 : i32
      %dma_wait3A_110 = tpu.memref_slice %arg4[%mul3A_2, %dma_wait3A_109] : memref<16384x32xf32, #tpu.memory_space<hbm>> -> memref<512x32xf32, #tpu.memory_space<hbm>>
      %dma_wait3A_111 = arith.constant 0 : i32
      %dma_wait3A_112 = tpu.memref_slice %arg4[%mul3A_2, %dma_wait3A_111] : memref<16384x32xf32, #tpu.memory_space<hbm>> -> memref<512x32xf32, #tpu.memory_space<hbm>>
      tpu.wait_dma2 semaphore(%run_scoped3A_104 : memref<!tpu.dma_semaphore, #tpu.memory_space<semaphore_mem>>) src(%arg7 : memref<512x32xf32, #tpu.memory_space<vmem>>) dst(%dma_wait3A_112 : memref<512x32xf32, #tpu.memory_space<hbm>>)
      tpu.yield
    }) : () -> ()
    %scan3A = arith.constant 0 : i32
    %scan3A_83 = arith.constant 0 : i32
    %scan3A_84 = arith.constant 32 : i32
    %scan3A_85 = arith.addi %scan3A_83, %scan3A_84 : i32
    %scan3A_86 = arith.constant 1 : i32
    %scan3A_87 = scf.for %scan3A_104 = %scan3A_83 to %scan3A_85 step %scan3A_86 iter_args(%scan3A_105 = %scan3A) -> (i32)  : i32 {
      %broadcast_in_dim3A = arith.constant 0.000000e+00 : f32
      %broadcast_in_dim3A_106 = vector.broadcast %broadcast_in_dim3A : f32 to vector<16xf32>
      %mul3A_107 = arith.constant 16 : i32
      %mul3A_108 = arith.muli %scan3A_104, %mul3A_107 : i32
      %swap3A = arith.index_cast %mul3A_108 : i32 to index
      %swap3A_109 = tpu.vector_load %arg9[%swap3A] {strides = array<i32>} : memref<512xf32, #tpu.memory_space<vmem>>, vector<16xf32>,
      %swap3A_110 = vector.shape_cast %swap3A_109 : vector<16xf32> to vector<16xf32>
      %swap3A_111 = vector.shape_cast %broadcast_in_dim3A_106 : vector<16xf32> to vector<16xf32>
      tpu.vector_store %arg9[%swap3A], %swap3A_111 {strides = array<i32>} : memref<512xf32, #tpu.memory_space<vmem>>, vector<16xf32>,
      %scan3A_112 = arith.constant 0 : i32
      scf.yield %scan3A_112 : i32
    }
    %scan3A_88 = arith.constant 32 : i32
    %scan3A_89 = arith.constant 0 : i32
    %scan3A_90 = arith.constant 0 : i32
    %scan3A_91 = arith.constant 8 : i32
    %scan3A_92 = arith.addi %scan3A_90, %scan3A_91 : i32
    %scan3A_93 = arith.constant 1 : i32
    %scan3A_94 = scf.for %scan3A_104 = %scan3A_90 to %scan3A_92 step %scan3A_93 iter_args(%scan3A_105 = %scan3A_89) -> (i32)  : i32 {
      %broadcast_in_dim3A = arith.constant 1.000000e+00 : f32
      %broadcast_in_dim3A_106 = vector.broadcast %broadcast_in_dim3A : f32 to vector<16xf32>
      %mul3A_107 = arith.constant 16 : i32
      %mul3A_108 = arith.muli %scan3A_104, %mul3A_107 : i32
      %swap3A = arith.index_cast %mul3A_108 : i32 to index
      %swap3A_109 = tpu.vector_load %arg8[%swap3A] {strides = array<i32>} : memref<128xf32, #tpu.memory_space<vmem>>, vector<16xf32>,
      %swap3A_110 = vector.shape_cast %swap3A_109 : vector<16xf32> to vector<16xf32>
      %swap3A_111 = vector.shape_cast %broadcast_in_dim3A_106 : vector<16xf32> to vector<16xf32>
      tpu.vector_store %arg8[%swap3A], %swap3A_111 {strides = array<i32>} : memref<128xf32, #tpu.memory_space<vmem>>, vector<16xf32>,
      %scan3A_112 = arith.constant 0 : i32
      scf.yield %scan3A_112 : i32
    }
    %scan3A_95 = arith.constant 8 : i32
    %mul3A_96 = arith.constant 512 : i32
    %mul3A_97 = arith.muli %arg1, %mul3A_96 : i32
    "tpu.region"() ({
      %run_scoped3A_104 = tpu.sem_alloc : memref<!tpu.dma_semaphore, #tpu.memory_space<semaphore_mem>>
      %dma_start3A_105 = tpu.memref_slice %arg10[%mul3A_97] : memref<8192xf32, #tpu.memory_space<vmem_shared>> -> memref<512xf32, #tpu.memory_space<vmem_shared>>
      %dma_start3A_106 = tpu.memref_slice %arg10[%mul3A_97] : memref<8192xf32, #tpu.memory_space<vmem_shared>> -> memref<512xf32, #tpu.memory_space<vmem_shared>>
      tpu.enqueue_dma source(%arg9 : memref<512xf32, #tpu.memory_space<vmem>>) target(%dma_start3A_106 : memref<512xf32, #tpu.memory_space<vmem_shared>>) target_semaphore(%run_scoped3A_104 : memref<!tpu.dma_semaphore, #tpu.memory_space<semaphore_mem>>)
      %dma_wait3A_107 = tpu.memref_slice %arg10[%mul3A_97] : memref<8192xf32, #tpu.memory_space<vmem_shared>> -> memref<512xf32, #tpu.memory_space<vmem_shared>>
      %dma_wait3A_108 = tpu.memref_slice %arg10[%mul3A_97] : memref<8192xf32, #tpu.memory_space<vmem_shared>> -> memref<512xf32, #tpu.memory_space<vmem_shared>>
      tpu.wait_dma2 semaphore(%run_scoped3A_104 : memref<!tpu.dma_semaphore, #tpu.memory_space<semaphore_mem>>) src(%arg9 : memref<512xf32, #tpu.memory_space<vmem>>) dst(%dma_wait3A_108 : memref<512xf32, #tpu.memory_space<vmem_shared>>)
      tpu.yield
    }) : () -> ()
    %barrier3A = arith.constant 0 : index
    tpu.barrier barrier_id(%barrier3A)
    %run_scoped3A = arith.constant 0 : i32
    "tpu.region"() ({
      %run_scoped3A_104 = tpu.sem_alloc : memref<!tpu.dma_semaphore, #tpu.memory_space<semaphore_mem>>
      %dma_start3A_105 = arith.constant 0 : i32
      %dma_start3A_106 = tpu.memref_slice %arg6[%run_scoped3A, %dma_start3A_105] : memref<4x128xi32, #tpu.memory_space<vmem>> -> memref<1x128xi32, #tpu.memory_space<vmem>>
      %dma_start3A_107 = tpu.memref_squeeze %dma_start3A_106 : memref<1x128xi32, #tpu.memory_space<vmem>> -> memref<128xi32, #tpu.memory_space<vmem>>
      %dma_start3A_108 = arith.constant 0 : i32
      %dma_start3A_109 = tpu.memref_slice %arg10[%dma_start3A_108] : memref<8192xf32, #tpu.memory_space<vmem_shared>> -> memref<8192xf32, #tpu.memory_space<vmem_shared>>
      tpu.enqueue_indirect_dma source(%arg8 : memref<128xf32, #tpu.memory_space<vmem>>) target(%dma_start3A_109 : memref<8192xf32, #tpu.memory_space<vmem_shared>>) offsets(%dma_start3A_107 : memref<128xi32, #tpu.memory_space<vmem>>) semaphore(%run_scoped3A_104 : memref<!tpu.dma_semaphore, #tpu.memory_space<semaphore_mem>>) {add = true}
      %dma_wait3A_110 = arith.constant 0 : i32
      %dma_wait3A_111 = tpu.memref_slice %arg6[%run_scoped3A, %dma_wait3A_110] : memref<4x128xi32, #tpu.memory_space<vmem>> -> memref<1x128xi32, #tpu.memory_space<vmem>>
      %dma_wait3A_112 = tpu.memref_squeeze %dma_wait3A_111 : memref<1x128xi32, #tpu.memory_space<vmem>> -> memref<128xi32, #tpu.memory_space<vmem>>
      %dma_wait3A_113 = arith.constant 0 : i32
      %dma_wait3A_114 = tpu.memref_slice %arg10[%dma_wait3A_113] : memref<8192xf32, #tpu.memory_space<vmem_shared>> -> memref<8192xf32, #tpu.memory_space<vmem_shared>>
      tpu.wait_indirect_dma semaphore(%run_scoped3A_104 : memref<!tpu.dma_semaphore, #tpu.memory_space<semaphore_mem>>) src(%arg8 : memref<128xf32, #tpu.memory_space<vmem>>) dst(%dma_wait3A_114 : memref<8192xf32, #tpu.memory_space<vmem_shared>>)
      tpu.yield
    }) : () -> ()
    %run_scoped3A_98 = arith.constant 1 : i32
    "tpu.region"() ({
      %run_scoped3A_104 = tpu.sem_alloc : memref<!tpu.dma_semaphore, #tpu.memory_space<semaphore_mem>>
      %dma_start3A_105 = arith.constant 0 : i32
      %dma_start3A_106 = tpu.memref_slice %arg6[%run_scoped3A_98, %dma_start3A_105] : memref<4x128xi32, #tpu.memory_space<vmem>> -> memref<1x128xi32, #tpu.memory_space<vmem>>
      %dma_start3A_107 = tpu.memref_squeeze %dma_start3A_106 : memref<1x128xi32, #tpu.memory_space<vmem>> -> memref<128xi32, #tpu.memory_space<vmem>>
      %dma_start3A_108 = arith.constant 0 : i32
      %dma_start3A_109 = tpu.memref_slice %arg10[%dma_start3A_108] : memref<8192xf32, #tpu.memory_space<vmem_shared>> -> memref<8192xf32, #tpu.memory_space<vmem_shared>>
      tpu.enqueue_indirect_dma source(%arg8 : memref<128xf32, #tpu.memory_space<vmem>>) target(%dma_start3A_109 : memref<8192xf32, #tpu.memory_space<vmem_shared>>) offsets(%dma_start3A_107 : memref<128xi32, #tpu.memory_space<vmem>>) semaphore(%run_scoped3A_104 : memref<!tpu.dma_semaphore, #tpu.memory_space<semaphore_mem>>) {add = true}
      %dma_wait3A_110 = arith.constant 0 : i32
      %dma_wait3A_111 = tpu.memref_slice %arg6[%run_scoped3A_98, %dma_wait3A_110] : memref<4x128xi32, #tpu.memory_space<vmem>> -> memref<1x128xi32, #tpu.memory_space<vmem>>
      %dma_wait3A_112 = tpu.memref_squeeze %dma_wait3A_111 : memref<1x128xi32, #tpu.memory_space<vmem>> -> memref<128xi32, #tpu.memory_space<vmem>>
      %dma_wait3A_113 = arith.constant 0 : i32
      %dma_wait3A_114 = tpu.memref_slice %arg10[%dma_wait3A_113] : memref<8192xf32, #tpu.memory_space<vmem_shared>> -> memref<8192xf32, #tpu.memory_space<vmem_shared>>
      tpu.wait_indirect_dma semaphore(%run_scoped3A_104 : memref<!tpu.dma_semaphore, #tpu.memory_space<semaphore_mem>>) src(%arg8 : memref<128xf32, #tpu.memory_space<vmem>>) dst(%dma_wait3A_114 : memref<8192xf32, #tpu.memory_space<vmem_shared>>)
      tpu.yield
    }) : () -> ()
    %run_scoped3A_99 = arith.constant 2 : i32
    "tpu.region"() ({
      %run_scoped3A_104 = tpu.sem_alloc : memref<!tpu.dma_semaphore, #tpu.memory_space<semaphore_mem>>
      %dma_start3A_105 = arith.constant 0 : i32
      %dma_start3A_106 = tpu.memref_slice %arg6[%run_scoped3A_99, %dma_start3A_105] : memref<4x128xi32, #tpu.memory_space<vmem>> -> memref<1x128xi32, #tpu.memory_space<vmem>>
      %dma_start3A_107 = tpu.memref_squeeze %dma_start3A_106 : memref<1x128xi32, #tpu.memory_space<vmem>> -> memref<128xi32, #tpu.memory_space<vmem>>
      %dma_start3A_108 = arith.constant 0 : i32
      %dma_start3A_109 = tpu.memref_slice %arg10[%dma_start3A_108] : memref<8192xf32, #tpu.memory_space<vmem_shared>> -> memref<8192xf32, #tpu.memory_space<vmem_shared>>
      tpu.enqueue_indirect_dma source(%arg8 : memref<128xf32, #tpu.memory_space<vmem>>) target(%dma_start3A_109 : memref<8192xf32, #tpu.memory_space<vmem_shared>>) offsets(%dma_start3A_107 : memref<128xi32, #tpu.memory_space<vmem>>) semaphore(%run_scoped3A_104 : memref<!tpu.dma_semaphore, #tpu.memory_space<semaphore_mem>>) {add = true}
      %dma_wait3A_110 = arith.constant 0 : i32
      %dma_wait3A_111 = tpu.memref_slice %arg6[%run_scoped3A_99, %dma_wait3A_110] : memref<4x128xi32, #tpu.memory_space<vmem>> -> memref<1x128xi32, #tpu.memory_space<vmem>>
      %dma_wait3A_112 = tpu.memref_squeeze %dma_wait3A_111 : memref<1x128xi32, #tpu.memory_space<vmem>> -> memref<128xi32, #tpu.memory_space<vmem>>
      %dma_wait3A_113 = arith.constant 0 : i32
      %dma_wait3A_114 = tpu.memref_slice %arg10[%dma_wait3A_113] : memref<8192xf32, #tpu.memory_space<vmem_shared>> -> memref<8192xf32, #tpu.memory_space<vmem_shared>>
      tpu.wait_indirect_dma semaphore(%run_scoped3A_104 : memref<!tpu.dma_semaphore, #tpu.memory_space<semaphore_mem>>) src(%arg8 : memref<128xf32, #tpu.memory_space<vmem>>) dst(%dma_wait3A_114 : memref<8192xf32, #tpu.memory_space<vmem_shared>>)
      tpu.yield
    }) : () -> ()
    %run_scoped3A_100 = arith.constant 3 : i32
    "tpu.region"() ({
      %run_scoped3A_104 = tpu.sem_alloc : memref<!tpu.dma_semaphore, #tpu.memory_space<semaphore_mem>>
      %dma_start3A_105 = arith.constant 0 : i32
      %dma_start3A_106 = tpu.memref_slice %arg6[%run_scoped3A_100, %dma_start3A_105] : memref<4x128xi32, #tpu.memory_space<vmem>> -> memref<1x128xi32, #tpu.memory_space<vmem>>
      %dma_start3A_107 = tpu.memref_squeeze %dma_start3A_106 : memref<1x128xi32, #tpu.memory_space<vmem>> -> memref<128xi32, #tpu.memory_space<vmem>>
      %dma_start3A_108 = arith.constant 0 : i32
      %dma_start3A_109 = tpu.memref_slice %arg10[%dma_start3A_108] : memref<8192xf32, #tpu.memory_space<vmem_shared>> -> memref<8192xf32, #tpu.memory_space<vmem_shared>>
      tpu.enqueue_indirect_dma source(%arg8 : memref<128xf32, #tpu.memory_space<vmem>>) target(%dma_start3A_109 : memref<8192xf32, #tpu.memory_space<vmem_shared>>) offsets(%dma_start3A_107 : memref<128xi32, #tpu.memory_space<vmem>>) semaphore(%run_scoped3A_104 : memref<!tpu.dma_semaphore, #tpu.memory_space<semaphore_mem>>) {add = true}
      %dma_wait3A_110 = arith.constant 0 : i32
      %dma_wait3A_111 = tpu.memref_slice %arg6[%run_scoped3A_100, %dma_wait3A_110] : memref<4x128xi32, #tpu.memory_space<vmem>> -> memref<1x128xi32, #tpu.memory_space<vmem>>
      %dma_wait3A_112 = tpu.memref_squeeze %dma_wait3A_111 : memref<1x128xi32, #tpu.memory_space<vmem>> -> memref<128xi32, #tpu.memory_space<vmem>>
      %dma_wait3A_113 = arith.constant 0 : i32
      %dma_wait3A_114 = tpu.memref_slice %arg10[%dma_wait3A_113] : memref<8192xf32, #tpu.memory_space<vmem_shared>> -> memref<8192xf32, #tpu.memory_space<vmem_shared>>
      tpu.wait_indirect_dma semaphore(%run_scoped3A_104 : memref<!tpu.dma_semaphore, #tpu.memory_space<semaphore_mem>>) src(%arg8 : memref<128xf32, #tpu.memory_space<vmem>>) dst(%dma_wait3A_114 : memref<8192xf32, #tpu.memory_space<vmem_shared>>)
      tpu.yield
    }) : () -> ()
    %barrier3A_101 = arith.constant 0 : index
    tpu.barrier barrier_id(%barrier3A_101)
    %mul3A_102 = arith.constant 512 : i32
    %mul3A_103 = arith.muli %arg1, %mul3A_102 : i32
    "tpu.region"() ({
      %run_scoped3A_104 = tpu.sem_alloc : memref<!tpu.dma_semaphore, #tpu.memory_space<semaphore_mem>>
      %dma_start3A_105 = tpu.memref_slice %arg10[%mul3A_103] : memref<8192xf32, #tpu.memory_space<vmem_shared>> -> memref<512xf32, #tpu.memory_space<vmem_shared>>
      %dma_start3A_106 = tpu.memref_slice %arg10[%mul3A_103] : memref<8192xf32, #tpu.memory_space<vmem_shared>> -> memref<512xf32, #tpu.memory_space<vmem_shared>>
      tpu.enqueue_dma source(%dma_start3A_106 : memref<512xf32, #tpu.memory_space<vmem_shared>>) target(%arg9 : memref<512xf32, #tpu.memory_space<vmem>>) target_semaphore(%run_scoped3A_104 : memref<!tpu.dma_semaphore, #tpu.memory_space<semaphore_mem>>)
      %dma_wait3A_107 = tpu.memref_slice %arg10[%mul3A_103] : memref<8192xf32, #tpu.memory_space<vmem_shared>> -> memref<512xf32, #tpu.memory_space<vmem_shared>>
      %dma_wait3A_108 = tpu.memref_slice %arg10[%mul3A_103] : memref<8192xf32, #tpu.memory_space<vmem_shared>> -> memref<512xf32, #tpu.memory_space<vmem_shared>>
      tpu.wait_dma2 semaphore(%run_scoped3A_104 : memref<!tpu.dma_semaphore, #tpu.memory_space<semaphore_mem>>) src(%dma_wait3A_108 : memref<512xf32, #tpu.memory_space<vmem_shared>>) dst(%arg9 : memref<512xf32, #tpu.memory_space<vmem>>)
      tpu.yield
    }) : () -> ()
    "tpu.region"() ({
      %run_scoped3A_104 = tpu.sem_alloc : memref<!tpu.dma_semaphore, #tpu.memory_space<semaphore_mem>>
      %dma_start3A_105 = arith.constant 0 : i32
      %dma_start3A_106 = tpu.memref_slice %arg5[%add3A, %dma_start3A_105] : memref<32x512xf32, #tpu.memory_space<hbm>> -> memref<1x512xf32, #tpu.memory_space<hbm>>
      %dma_start3A_107 = tpu.memref_squeeze %dma_start3A_106 : memref<1x512xf32, #tpu.memory_space<hbm>> -> memref<512xf32, #tpu.memory_space<hbm>>
      %dma_start3A_108 = arith.constant 0 : i32
      %dma_start3A_109 = tpu.memref_slice %arg5[%add3A, %dma_start3A_108] : memref<32x512xf32, #tpu.memory_space<hbm>> -> memref<1x512xf32, #tpu.memory_space<hbm>>
      %dma_start3A_110 = tpu.memref_squeeze %dma_start3A_109 : memref<1x512xf32, #tpu.memory_space<hbm>> -> memref<512xf32, #tpu.memory_space<hbm>>
      tpu.enqueue_dma source(%arg9 : memref<512xf32, #tpu.memory_space<vmem>>) target(%dma_start3A_110 : memref<512xf32, #tpu.memory_space<hbm>>) target_semaphore(%run_scoped3A_104 : memref<!tpu.dma_semaphore, #tpu.memory_space<semaphore_mem>>)
      %dma_wait3A_111 = arith.constant 0 : i32
      %dma_wait3A_112 = tpu.memref_slice %arg5[%add3A, %dma_wait3A_111] : memref<32x512xf32, #tpu.memory_space<hbm>> -> memref<1x512xf32, #tpu.memory_space<hbm>>
      %dma_wait3A_113 = tpu.memref_squeeze %dma_wait3A_112 : memref<1x512xf32, #tpu.memory_space<hbm>> -> memref<512xf32, #tpu.memory_space<hbm>>
      %dma_wait3A_114 = arith.constant 0 : i32
      %dma_wait3A_115 = tpu.memref_slice %arg5[%add3A, %dma_wait3A_114] : memref<32x512xf32, #tpu.memory_space<hbm>> -> memref<1x512xf32, #tpu.memory_space<hbm>>
      %dma_wait3A_116 = tpu.memref_squeeze %dma_wait3A_115 : memref<1x512xf32, #tpu.memory_space<hbm>> -> memref<512xf32, #tpu.memory_space<hbm>>
      tpu.wait_dma2 semaphore(%run_scoped3A_104 : memref<!tpu.dma_semaphore, #tpu.memory_space<semaphore_mem>>) src(%arg9 : memref<512xf32, #tpu.memory_space<vmem>>) dst(%dma_wait3A_116 : memref<512xf32, #tpu.memory_space<hbm>>)
      tpu.yield
    }) : () -> ()
    return
  }
}

module attributes {stable_mosaic.version = 14 : i64} {
  func.func @_argmin_body(%arg0: i32, %arg1: memref<512x32xf32, #tpu.memory_space<vmem>>, %arg2: memref<8192x32xf32, #tpu.memory_space<vmem>>, %arg3: memref<512xi32, #tpu.memory_space<vmem>>, %arg4: memref<8192xf32, #tpu.memory_space<vmem>>) attributes {dimension_semantics = [#tpu.dimension_semantics<arbitrary>], iteration_bounds = array<i64: 32>, scalar_prefetch = 0 : i64, scratch_operands = 1 : i64, tpu.core_type = #tpu.core_type<tc>, window_params = [{transform_indices = @transform_0, window_bounds = array<i64: 512, 32>}, {pipeline_mode = #tpu.pipeline_mode<synchronous>, transform_indices = @transform_1, window_bounds = array<i64: 8192, 32>}, {transform_indices = @transform_2, window_bounds = array<i64: 512>}]} {
    %eq3A = arith.constant 0 : i32
    %eq3A_0 = arith.cmpi eq, %arg0, %eq3A : i32
    %convert_element_type3A = arith.extui %eq3A_0 : i1 to i32
    %cond3A = arith.constant 0 : i32
    %cond3A_1 = arith.cmpi ne, %convert_element_type3A, %cond3A : i32
    scf.if %cond3A_1 {
      %get3A_123 = arith.constant 0 : index
      %get3A_124 = arith.constant 0 : index
      %get3A_125 = vector.load %arg2[%get3A_123, %get3A_124] : memref<8192x32xf32, #tpu.memory_space<vmem>>, vector<8192x32xf32>
      %mul3A_126 = arith.mulf %get3A_125, %get3A_125 : vector<8192x32xf32>
      %reduce_sum3A_127 = arith.constant dense<0.000000e+00> : vector<8192xf32>
      %reduce_sum3A_128 = vector.multi_reduction <add>, %mul3A_126, %reduce_sum3A_127 [1] : vector<8192x32xf32> to vector<8192xf32>
      %swap3A_129 = arith.constant 0 : index
      %swap3A_130 = vector.load %arg4[%swap3A_129] : memref<8192xf32, #tpu.memory_space<vmem>>, vector<8192xf32>
      tpu.vector_store %arg4[%swap3A_129], %reduce_sum3A_128 {strides = array<i32>} : memref<8192xf32, #tpu.memory_space<vmem>>, vector<8192xf32>,
    } else {
    }
    %get3A = arith.constant 0 : index
    %get3A_2 = arith.constant 0 : index
    %get3A_3 = vector.load %arg1[%get3A, %get3A_2] : memref<512x32xf32, #tpu.memory_space<vmem>>, vector<512x32xf32>
    %mul3A = arith.mulf %get3A_3, %get3A_3 : vector<512x32xf32>
    %reduce_sum3A = arith.constant dense<0.000000e+00> : vector<512xf32>
    %reduce_sum3A_4 = vector.multi_reduction <add>, %mul3A, %reduce_sum3A [1] : vector<512x32xf32> to vector<512xf32>
    %iota3A = tpu.iota {dimensions = array<i32: 1>} : vector<512x2048xi32>
    %convert_element_type3A_5 = arith.sitofp %iota3A : vector<512x2048xi32> to vector<512x2048xf32>
    %get3A_6 = arith.constant 0 : index
    %get3A_7 = arith.constant 0 : index
    %get3A_8 = vector.load %arg2[%get3A_6, %get3A_7] : memref<8192x32xf32, #tpu.memory_space<vmem>>, vector<2048x32xf32>
    %get3A_9 = arith.constant 0 : index
    %get3A_10 = vector.load %arg4[%get3A_9] : memref<8192xf32, #tpu.memory_space<vmem>>, vector<2048xf32>
    %dot_general3A = arith.constant dense<0.000000e+00> : vector<512x2048xf32>
    %dot_general3A_11 = tpu.matmul %get3A_3, %get3A_8, %dot_general3A {dimension_numbers = #tpu.dot_dimension_numbers<[1], [1], [0], [0], [0, 0, 1, 0], [], []>, transpose_lhs_hint = false} : vector<512x32xf32>, vector<2048x32xf32>, vector<512x2048xf32> -> vector<512x2048xf32>
    %broadcast_in_dim3A = vector.shape_cast %reduce_sum3A_4 : vector<512xf32> to vector<512x1xf32>
    %broadcast_in_dim3A_12 = vector.shape_cast %get3A_10 : vector<2048xf32> to vector<1x2048xf32>
    %add3A = vector.broadcast %broadcast_in_dim3A : vector<512x1xf32> to vector<512x2048xf32>
    %add3A_13 = vector.broadcast %broadcast_in_dim3A_12 : vector<1x2048xf32> to vector<512x2048xf32>
    %add3A_14 = arith.addf %add3A, %add3A_13 : vector<512x2048xf32>
    %mul3A_15 = arith.constant 2.000000e+00 : f32
    %mul3A_16 = vector.broadcast %mul3A_15 : f32 to vector<512x2048xf32>
    %mul3A_17 = arith.mulf %mul3A_16, %dot_general3A_11 : vector<512x2048xf32>
    %sub3A = arith.subf %add3A_14, %mul3A_17 : vector<512x2048xf32>
    %reduce_min3A = arith.constant dense<0x7F800000> : vector<512xf32>
    %reduce_min3A_18 = vector.multi_reduction <minimumf>, %sub3A, %reduce_min3A [1] : vector<512x2048xf32> to vector<512xf32>
    %broadcast_in_dim3A_19 = vector.shape_cast %reduce_min3A_18 : vector<512xf32> to vector<512x1xf32>
    %eq3A_20 = vector.broadcast %broadcast_in_dim3A_19 : vector<512x1xf32> to vector<512x2048xf32>
    %eq3A_21 = arith.cmpf oeq, %sub3A, %eq3A_20 : vector<512x2048xf32>
    %jit3A = arith.constant 2.048000e+03 : f32
    %broadcast_in_dim3A_22 = vector.broadcast %jit3A : f32 to vector<512x2048xf32>
    %select_n3A = arith.select %eq3A_21, %convert_element_type3A_5, %broadcast_in_dim3A_22 : vector<512x2048xi1>, vector<512x2048xf32>
    %reduce_min3A_23 = arith.constant dense<0x7F800000> : vector<512xf32>
    %reduce_min3A_24 = vector.multi_reduction <minimumf>, %select_n3A, %reduce_min3A_23 [1] : vector<512x2048xf32> to vector<512xf32>
    %add3A_25 = arith.constant 0.000000e+00 : f32
    %add3A_26 = vector.broadcast %add3A_25 : f32 to vector<512xf32>
    %add3A_27 = arith.addf %reduce_min3A_24, %add3A_26 : vector<512xf32>
    %get3A_28 = arith.constant 2048 : index
    %get3A_29 = arith.constant 0 : index
    %get3A_30 = vector.load %arg2[%get3A_28, %get3A_29] : memref<8192x32xf32, #tpu.memory_space<vmem>>, vector<2048x32xf32>
    %get3A_31 = arith.constant 2048 : index
    %get3A_32 = vector.load %arg4[%get3A_31] : memref<8192xf32, #tpu.memory_space<vmem>>, vector<2048xf32>
    %dot_general3A_33 = arith.constant dense<0.000000e+00> : vector<512x2048xf32>
    %dot_general3A_34 = tpu.matmul %get3A_3, %get3A_30, %dot_general3A_33 {dimension_numbers = #tpu.dot_dimension_numbers<[1], [1], [0], [0], [0, 0, 1, 0], [], []>, transpose_lhs_hint = false} : vector<512x32xf32>, vector<2048x32xf32>, vector<512x2048xf32> -> vector<512x2048xf32>
    %broadcast_in_dim3A_35 = vector.shape_cast %reduce_sum3A_4 : vector<512xf32> to vector<512x1xf32>
    %broadcast_in_dim3A_36 = vector.shape_cast %get3A_32 : vector<2048xf32> to vector<1x2048xf32>
    %add3A_37 = vector.broadcast %broadcast_in_dim3A_35 : vector<512x1xf32> to vector<512x2048xf32>
    %add3A_38 = vector.broadcast %broadcast_in_dim3A_36 : vector<1x2048xf32> to vector<512x2048xf32>
    %add3A_39 = arith.addf %add3A_37, %add3A_38 : vector<512x2048xf32>
    %mul3A_40 = arith.constant 2.000000e+00 : f32
    %mul3A_41 = vector.broadcast %mul3A_40 : f32 to vector<512x2048xf32>
    %mul3A_42 = arith.mulf %mul3A_41, %dot_general3A_34 : vector<512x2048xf32>
    %sub3A_43 = arith.subf %add3A_39, %mul3A_42 : vector<512x2048xf32>
    %reduce_min3A_44 = arith.constant dense<0x7F800000> : vector<512xf32>
    %reduce_min3A_45 = vector.multi_reduction <minimumf>, %sub3A_43, %reduce_min3A_44 [1] : vector<512x2048xf32> to vector<512xf32>
    %broadcast_in_dim3A_46 = vector.shape_cast %reduce_min3A_45 : vector<512xf32> to vector<512x1xf32>
    %eq3A_47 = vector.broadcast %broadcast_in_dim3A_46 : vector<512x1xf32> to vector<512x2048xf32>
    %eq3A_48 = arith.cmpf oeq, %sub3A_43, %eq3A_47 : vector<512x2048xf32>
    %jit3A_49 = arith.constant 2.048000e+03 : f32
    %broadcast_in_dim3A_50 = vector.broadcast %jit3A_49 : f32 to vector<512x2048xf32>
    %select_n3A_51 = arith.select %eq3A_48, %convert_element_type3A_5, %broadcast_in_dim3A_50 : vector<512x2048xi1>, vector<512x2048xf32>
    %reduce_min3A_52 = arith.constant dense<0x7F800000> : vector<512xf32>
    %reduce_min3A_53 = vector.multi_reduction <minimumf>, %select_n3A_51, %reduce_min3A_52 [1] : vector<512x2048xf32> to vector<512xf32>
    %add3A_54 = arith.constant 2.048000e+03 : f32
    %add3A_55 = vector.broadcast %add3A_54 : f32 to vector<512xf32>
    %add3A_56 = arith.addf %reduce_min3A_53, %add3A_55 : vector<512xf32>
    %lt3A = arith.cmpf olt, %reduce_min3A_45, %reduce_min3A_18 : vector<512xf32>
    %select_n3A_57 = arith.select %lt3A, %add3A_56, %add3A_27 : vector<512xi1>, vector<512xf32>
    %min3A = arith.minimumf %reduce_min3A_45, %reduce_min3A_18 : vector<512xf32>
    %get3A_58 = arith.constant 4096 : index
    %get3A_59 = arith.constant 0 : index
    %get3A_60 = vector.load %arg2[%get3A_58, %get3A_59] : memref<8192x32xf32, #tpu.memory_space<vmem>>, vector<2048x32xf32>
    %get3A_61 = arith.constant 4096 : index
    %get3A_62 = vector.load %arg4[%get3A_61] : memref<8192xf32, #tpu.memory_space<vmem>>, vector<2048xf32>
    %dot_general3A_63 = arith.constant dense<0.000000e+00> : vector<512x2048xf32>
    %dot_general3A_64 = tpu.matmul %get3A_3, %get3A_60, %dot_general3A_63 {dimension_numbers = #tpu.dot_dimension_numbers<[1], [1], [0], [0], [0, 0, 1, 0], [], []>, transpose_lhs_hint = false} : vector<512x32xf32>, vector<2048x32xf32>, vector<512x2048xf32> -> vector<512x2048xf32>
    %broadcast_in_dim3A_65 = vector.shape_cast %reduce_sum3A_4 : vector<512xf32> to vector<512x1xf32>
    %broadcast_in_dim3A_66 = vector.shape_cast %get3A_62 : vector<2048xf32> to vector<1x2048xf32>
    %add3A_67 = vector.broadcast %broadcast_in_dim3A_65 : vector<512x1xf32> to vector<512x2048xf32>
    %add3A_68 = vector.broadcast %broadcast_in_dim3A_66 : vector<1x2048xf32> to vector<512x2048xf32>
    %add3A_69 = arith.addf %add3A_67, %add3A_68 : vector<512x2048xf32>
    %mul3A_70 = arith.constant 2.000000e+00 : f32
    %mul3A_71 = vector.broadcast %mul3A_70 : f32 to vector<512x2048xf32>
    %mul3A_72 = arith.mulf %mul3A_71, %dot_general3A_64 : vector<512x2048xf32>
    %sub3A_73 = arith.subf %add3A_69, %mul3A_72 : vector<512x2048xf32>
    %reduce_min3A_74 = arith.constant dense<0x7F800000> : vector<512xf32>
    %reduce_min3A_75 = vector.multi_reduction <minimumf>, %sub3A_73, %reduce_min3A_74 [1] : vector<512x2048xf32> to vector<512xf32>
    %broadcast_in_dim3A_76 = vector.shape_cast %reduce_min3A_75 : vector<512xf32> to vector<512x1xf32>
    %eq3A_77 = vector.broadcast %broadcast_in_dim3A_76 : vector<512x1xf32> to vector<512x2048xf32>
    %eq3A_78 = arith.cmpf oeq, %sub3A_73, %eq3A_77 : vector<512x2048xf32>
    %jit3A_79 = arith.constant 2.048000e+03 : f32
    %broadcast_in_dim3A_80 = vector.broadcast %jit3A_79 : f32 to vector<512x2048xf32>
    %select_n3A_81 = arith.select %eq3A_78, %convert_element_type3A_5, %broadcast_in_dim3A_80 : vector<512x2048xi1>, vector<512x2048xf32>
    %reduce_min3A_82 = arith.constant dense<0x7F800000> : vector<512xf32>
    %reduce_min3A_83 = vector.multi_reduction <minimumf>, %select_n3A_81, %reduce_min3A_82 [1] : vector<512x2048xf32> to vector<512xf32>
    %add3A_84 = arith.constant 4.096000e+03 : f32
    %add3A_85 = vector.broadcast %add3A_84 : f32 to vector<512xf32>
    %add3A_86 = arith.addf %reduce_min3A_83, %add3A_85 : vector<512xf32>
    %lt3A_87 = arith.cmpf olt, %reduce_min3A_75, %min3A : vector<512xf32>
    %select_n3A_88 = arith.select %lt3A_87, %add3A_86, %select_n3A_57 : vector<512xi1>, vector<512xf32>
    %min3A_89 = arith.minimumf %reduce_min3A_75, %min3A : vector<512xf32>
    %get3A_90 = arith.constant 6144 : index
    %get3A_91 = arith.constant 0 : index
    %get3A_92 = vector.load %arg2[%get3A_90, %get3A_91] : memref<8192x32xf32, #tpu.memory_space<vmem>>, vector<2048x32xf32>
    %get3A_93 = arith.constant 6144 : index
    %get3A_94 = vector.load %arg4[%get3A_93] : memref<8192xf32, #tpu.memory_space<vmem>>, vector<2048xf32>
    %dot_general3A_95 = arith.constant dense<0.000000e+00> : vector<512x2048xf32>
    %dot_general3A_96 = tpu.matmul %get3A_3, %get3A_92, %dot_general3A_95 {dimension_numbers = #tpu.dot_dimension_numbers<[1], [1], [0], [0], [0, 0, 1, 0], [], []>, transpose_lhs_hint = false} : vector<512x32xf32>, vector<2048x32xf32>, vector<512x2048xf32> -> vector<512x2048xf32>
    %broadcast_in_dim3A_97 = vector.shape_cast %reduce_sum3A_4 : vector<512xf32> to vector<512x1xf32>
    %broadcast_in_dim3A_98 = vector.shape_cast %get3A_94 : vector<2048xf32> to vector<1x2048xf32>
    %add3A_99 = vector.broadcast %broadcast_in_dim3A_97 : vector<512x1xf32> to vector<512x2048xf32>
    %add3A_100 = vector.broadcast %broadcast_in_dim3A_98 : vector<1x2048xf32> to vector<512x2048xf32>
    %add3A_101 = arith.addf %add3A_99, %add3A_100 : vector<512x2048xf32>
    %mul3A_102 = arith.constant 2.000000e+00 : f32
    %mul3A_103 = vector.broadcast %mul3A_102 : f32 to vector<512x2048xf32>
    %mul3A_104 = arith.mulf %mul3A_103, %dot_general3A_96 : vector<512x2048xf32>
    %sub3A_105 = arith.subf %add3A_101, %mul3A_104 : vector<512x2048xf32>
    %reduce_min3A_106 = arith.constant dense<0x7F800000> : vector<512xf32>
    %reduce_min3A_107 = vector.multi_reduction <minimumf>, %sub3A_105, %reduce_min3A_106 [1] : vector<512x2048xf32> to vector<512xf32>
    %broadcast_in_dim3A_108 = vector.shape_cast %reduce_min3A_107 : vector<512xf32> to vector<512x1xf32>
    %eq3A_109 = vector.broadcast %broadcast_in_dim3A_108 : vector<512x1xf32> to vector<512x2048xf32>
    %eq3A_110 = arith.cmpf oeq, %sub3A_105, %eq3A_109 : vector<512x2048xf32>
    %jit3A_111 = arith.constant 2.048000e+03 : f32
    %broadcast_in_dim3A_112 = vector.broadcast %jit3A_111 : f32 to vector<512x2048xf32>
    %select_n3A_113 = arith.select %eq3A_110, %convert_element_type3A_5, %broadcast_in_dim3A_112 : vector<512x2048xi1>, vector<512x2048xf32>
    %reduce_min3A_114 = arith.constant dense<0x7F800000> : vector<512xf32>
    %reduce_min3A_115 = vector.multi_reduction <minimumf>, %select_n3A_113, %reduce_min3A_114 [1] : vector<512x2048xf32> to vector<512xf32>
    %add3A_116 = arith.constant 6.144000e+03 : f32
    %add3A_117 = vector.broadcast %add3A_116 : f32 to vector<512xf32>
    %add3A_118 = arith.addf %reduce_min3A_115, %add3A_117 : vector<512xf32>
    %lt3A_119 = arith.cmpf olt, %reduce_min3A_107, %min3A_89 : vector<512xf32>
    %select_n3A_120 = arith.select %lt3A_119, %add3A_118, %select_n3A_88 : vector<512xi1>, vector<512xf32>
    %convert_element_type3A_121 = arith.fptosi %select_n3A_120 : vector<512xf32> to vector<512xi32>
    %swap3A = arith.constant 0 : index
    %swap3A_122 = vector.load %arg3[%swap3A] : memref<512xi32, #tpu.memory_space<vmem>>, vector<512xi32>
    tpu.vector_store %arg3[%swap3A], %convert_element_type3A_121 {strides = array<i32>} : memref<512xi32, #tpu.memory_space<vmem>>, vector<512xi32>,
    return
  }
  func.func @transform_0(%arg0: i32) -> (i32, i32) {
    %c0_i32 = arith.constant 0 : i32
    %c0_i32_0 = arith.constant 0 : i32
    return %arg0, %c0_i32 : i32, i32
  }
  func.func @transform_1(%arg0: i32) -> (i32, i32) {
    %c0_i32 = arith.constant 0 : i32
    %c0_i32_0 = arith.constant 0 : i32
    %c0_i32_1 = arith.constant 0 : i32
    return %c0_i32, %c0_i32_0 : i32, i32
  }
  func.func @transform_2(%arg0: i32) -> i32 {
    %c0_i32 = arith.constant 0 : i32
    return %arg0 : i32
  }
}

module attributes {stable_mosaic.version = 14 : i64} {
  func.func @_final_body(%arg0: memref<4096x128xf32, #tpu.memory_space<vmem>>, %arg1: memref<4096x128xf32, #tpu.memory_space<vmem>>, %arg2: memref<32x512xf32, #tpu.memory_space<vmem>>, %arg3: memref<4096x128xf32, #tpu.memory_space<vmem>>, %arg4: memref<1x1xf32, #tpu.memory_space<vmem>>, %arg5: memref<1x1xf32, #tpu.memory_space<vmem>>) attributes {dimension_semantics = [], scalar_prefetch = 0 : i64, scratch_operands = 0 : i64, tpu.core_type = #tpu.core_type<tc>} {
    %get3A = arith.constant 0 : index
    %get3A_0 = arith.constant 0 : index
    %get3A_1 = vector.load %arg0[%get3A, %get3A_0] : memref<4096x128xf32, #tpu.memory_space<vmem>>, vector<4096x128xf32>
    %get3A_2 = arith.constant 0 : index
    %get3A_3 = arith.constant 0 : index
    %get3A_4 = vector.load %arg1[%get3A_2, %get3A_3] : memref<4096x128xf32, #tpu.memory_space<vmem>>, vector<4096x128xf32>
    %convert_element_type3A = arith.truncf %get3A_4 : vector<4096x128xf32> to vector<4096x128xbf16>
    %convert_element_type3A_5 = arith.extf %convert_element_type3A : vector<4096x128xbf16> to vector<4096x128xf32>
    %sub3A = arith.subf %convert_element_type3A_5, %get3A_1 : vector<4096x128xf32>
    %add3A = arith.addf %get3A_1, %sub3A : vector<4096x128xf32>
    %swap3A = arith.constant 0 : index
    %swap3A_6 = arith.constant 0 : index
    %swap3A_7 = vector.load %arg3[%swap3A, %swap3A_6] : memref<4096x128xf32, #tpu.memory_space<vmem>>, vector<4096x128xf32>
    tpu.vector_store %arg3[%swap3A, %swap3A_6], %add3A {strides = array<i32>} : memref<4096x128xf32, #tpu.memory_space<vmem>>, vector<4096x128xf32>,
    %mul3A = arith.mulf %sub3A, %sub3A : vector<4096x128xf32>
    %reduce_sum3A = vector.shape_cast %mul3A : vector<4096x128xf32> to vector<1x4096x128xf32>
    %reduce_sum3A_8 = arith.constant dense<0.000000e+00> : vector<1xf32>
    %reduce_sum3A_9 = vector.multi_reduction <add>, %reduce_sum3A, %reduce_sum3A_8 [1, 2] : vector<1x4096x128xf32> to vector<1xf32>
    %reduce_sum3A_10 = vector.shape_cast %reduce_sum3A_9 : vector<1xf32> to vector<1x1x1xf32>
    %reduce_sum3A_11 = vector.extract %reduce_sum3A_10[0, 0, 0] : f32 from vector<1x1x1xf32>
    %div3A = arith.constant 5.242880e+05 : f32
    %div3A_12 = arith.divf %reduce_sum3A_11, %div3A : f32
    %mul3A_13 = arith.constant 2.500000e-01 : f32
    %mul3A_14 = arith.mulf %mul3A_13, %div3A_12 : f32
    %add3A_15 = arith.addf %div3A_12, %mul3A_14 : f32
    %broadcast_in_dim3A = vector.broadcast %add3A_15 : f32 to vector<1x1xf32>
    %swap3A_16 = arith.constant 0 : index
    %swap3A_17 = arith.constant 0 : index
    %swap3A_18 = vector.load %arg4[%swap3A_16, %swap3A_17] : memref<1x1xf32, #tpu.memory_space<vmem>>, vector<1x1xf32>
    tpu.vector_store %arg4[%swap3A_16, %swap3A_17], %broadcast_in_dim3A {strides = array<i32>} : memref<1x1xf32, #tpu.memory_space<vmem>>, vector<1x1xf32>,
    %get3A_19 = arith.constant 0 : index
    %get3A_20 = arith.constant 0 : index
    %get3A_21 = vector.load %arg2[%get3A_19, %get3A_20] : memref<32x512xf32, #tpu.memory_space<vmem>>, vector<16x512xf32>
    %get3A_22 = arith.constant 16 : index
    %get3A_23 = arith.constant 0 : index
    %get3A_24 = vector.load %arg2[%get3A_22, %get3A_23] : memref<32x512xf32, #tpu.memory_space<vmem>>, vector<16x512xf32>
    %add3A_25 = arith.addf %get3A_21, %get3A_24 : vector<16x512xf32>
    %div3A_26 = arith.constant 1.638400e+04 : f32
    %div3A_27 = vector.broadcast %div3A_26 : f32 to vector<16x512xf32>
    %div3A_28 = arith.divf %add3A_25, %div3A_27 : vector<16x512xf32>
    %add3A_29 = arith.constant 1.000000e-10 : f32
    %add3A_30 = vector.broadcast %add3A_29 : f32 to vector<16x512xf32>
    %add3A_31 = arith.addf %div3A_28, %add3A_30 : vector<16x512xf32>
    %log3A = math.log %add3A_31 : vector<16x512xf32>
    %mul3A_32 = arith.mulf %div3A_28, %log3A : vector<16x512xf32>
    %reduce_sum3A_33 = vector.shape_cast %mul3A_32 : vector<16x512xf32> to vector<1x16x512xf32>
    %reduce_sum3A_34 = arith.constant dense<0.000000e+00> : vector<1xf32>
    %reduce_sum3A_35 = vector.multi_reduction <add>, %reduce_sum3A_33, %reduce_sum3A_34 [1, 2] : vector<1x16x512xf32> to vector<1xf32>
    %reduce_sum3A_36 = vector.shape_cast %reduce_sum3A_35 : vector<1xf32> to vector<1x1x1xf32>
    %reduce_sum3A_37 = vector.extract %reduce_sum3A_36[0, 0, 0] : f32 from vector<1x1x1xf32>
    %neg3A = arith.constant 0.000000e+00 : f32
    %neg3A_38 = arith.subf %neg3A, %reduce_sum3A_37 : f32
    %exp3A = math.exp %neg3A_38 : f32
    %broadcast_in_dim3A_39 = vector.broadcast %exp3A : f32 to vector<1x1xf32>
    %swap3A_40 = arith.constant 0 : index
    %swap3A_41 = arith.constant 0 : index
    %swap3A_42 = vector.load %arg5[%swap3A_40, %swap3A_41] : memref<1x1xf32, #tpu.memory_space<vmem>>, vector<1x1xf32>
    tpu.vector_store %arg5[%swap3A_40, %swap3A_41], %broadcast_in_dim3A_39 {strides = array<i32>} : memref<1x1xf32, #tpu.memory_space<vmem>>, vector<1x1xf32>,
    return
  }
}

</mosaic_0001>

<sc_bundles>
// kernel: kernel.5.cloned.1.call-start
scs
__scs_entry_jumppad:
0x0: {  	(pc) =	sbr.rel $0x88, $3  }
0x1: {  	(tag) =	ssettag $0x0;
	lr =	simm.s32 $0x1  }
0x2: {  	[smem:$0x3F9F] =	sst lr;
	_ =	strace $0xD0000000  }
0x3: {  	_ = 	snop  }
0x4: {  	_ = 	snop  }
0x5: {  	_ = 	snop  }
0x6: {  	_ = 	snop  }
0x7: {  	_ = 	snop  }
__scs_overlays_trampoline_lowered:
0x8: {  	[smem:$0x3FAE] =	sst s0  }
0x9: {  	[smem:$0x3FAF] =	sst s1  }
0xa: {  	[smem:$0x3FB0] =	sst s2  }
0xb: {  	[smem:$0x3FB1] =	sst s3  }
0xc: {  	[smem:$0x3FB2] =	sst s4  }
0xd: {  	[smem:$0x3FB3] =	sst s5  }
0xe: {  	[smem:$0x3FB4] =	sst s6  }
0xf: {  	[smem:$0x3FB5] =	sst s7  }
0x10: {  	[smem:$0x3FB6] =	sst s8  }
0x11: {  	[smem:$0x3FB7] =	sst s9;
	s0 =	simm.s32 @!p0 $0x0  }
0x12: {  	s1 =	sld [smem:$0x3F9D];
	s0 =	simm.s32 @p0 $0x1  }
0x13: {  	[smem:$0x3FB8] =	sst s0;
	s0 =	simm.s32 @!p1 $0x0  }
0x14: {  	s2 =	sld [smem:$0x3F9C];
	s0 =	simm.s32 @p1 $0x1  }
0x15: {  	[smem:$0x3FB9] =	sst s0;
	s0 =	simm.s32 @!p2 $0x0  }
0x16: {  	s3 =	sld [smem:$0x3FDB];
	s0 =	simm.s32 @p2 $0x1  }
0x17: {  	s4 =	simm.s32 $0x1BF5;
	[smem:$0x3FBB] =	sst s0  }
0x18: {  	s0 =	sld [smem:$0x3F9E];
	_ =	swait.ge [sflag:s4], $0x0  }
0x19: {  	s7 =	sld [smem:$0x3F9F]  }
0x1a: {  	s8 =	sadd.s32 $0xFFFFE003, lr  }
0x1b: {  	s9 =	sadd.s32 $0xFFFFFEF7, lr;
	s5 =	simm.s32 $0xFFFFFFFF;
	p2 =	slt.u32 s8, $0xFFFFF086  }
0x1c: {  	p1 =	slt.u32 s9, $0xF7A;
	s5 =	simm.s32 @!p2 $0x0  }
0x1d: {  	s5 =	simm.s32 @p1 $0x1;
	p0 =	seq.s32 s7, s2  }
0x1e: {  	s7 =	smul.u32 @!p0 $0xF7A, s2;
	p2 =	seq.s32 @!p0 s5, $0x0  }
0x1f: {  	s9 =	smul.u32 $0xF7A, s1;
	s8 =	simm.s32 @!p0 $0x1BF5;
	p2 =	por !p2, p0  }
0x20: {  	[sflag:s8] =	ssyncset.s32 @!p0 $0xFFFFF086;
	s6 =	sadd.s32 @!p0 s3, s7;
	s7 =	simm.s32 @!p0 $0x108  }
0x21: {  	s3 =	sadd.s32 s3, s9;
	s6 =	sadd.s32 @!p0 $0x88, s6;
	s7 =	simm.s32 @p2 $0x1082  }
0x22: {  	[simem:s7], [sflag:s8] =	dma.local @!p0 [hbm:s6], $0xF7A  }
0x23: {  	s9 =	sor.u32 $0xD0000000, s2;
	s6 =	simm.s32 $0x108;
	_ =	swait.ge @!p0 [sflag:s8], $0x0  }
0x24: {  	s3 =	sadd.s32 $0x88, s3;
	s6 =	simm.s32 @!p1 $0x1082;
	[sflag:s4] =	ssyncset.s32 $0xFFFFF086  }
0x25: {  	[simem:s6], [sflag:s4] =	dma.local [hbm:s3], $0xF7A  }
0x26: {  	[smem:$0x3F9F] =	sst s1;
	(tag) =	ssettag s2;
	_ =	strace s9  }
0x27: {  	s1 =	sld [smem:$0x3FAF]  }
0x28: {  	s2 =	sld [smem:$0x3FB0]  }
0x29: {  	s4 =	sld [smem:$0x3FB2]  }
0x2a: {  	p0 =	seq.s32 s5, $0x0;
	s5 =	sld [smem:$0x3FB3]  }
0x2b: {  	s6 =	sld [smem:$0x3FB4]  }
0x2c: {  	s7 =	sld [smem:$0x3FB5]  }
0x2d: {  	s3 =	simm.s32 $0x108;
	s8 =	sld [smem:$0x3FB6]  }
0x2e: {  	s3 =	simm.s32 @!p0 $0x1082;
	s9 =	sld [smem:$0x3FB7]  }
0x2f: {  	lr =	sadd.s32 s0, s3;
	s0 =	sld [smem:$0x3FAE]  }
0x30: {  	s3 =	sld [smem:$0x3FB1]  }
0x31: {  	[smem:$0x3FBA] =	sst s10  }
0x32: {  	s10 =	sld [smem:$0x3FB8];
	_ =	sdelay $0x3  }
0x33: {  	p0 =	seq.s32 s10, $0x1;
	s10 =	sld [smem:$0x3FBA];
	_ =	sdelay $0x3  }
0x34: {  	[smem:$0x3FBA] =	sst s10  }
0x35: {  	s10 =	sld [smem:$0x3FB9];
	_ =	sdelay $0x3  }
0x36: {  	p1 =	seq.s32 s10, $0x1;
	s10 =	sld [smem:$0x3FBA];
	_ =	sdelay $0x3  }
0x37: {  	[smem:$0x3FBA] =	sst s10  }
0x38: {  	s10 =	sld [smem:$0x3FBB]  }
0x39: {  	_ = 	snop;
	(pc) =	sbr.ind lr, $3  }
0x3a: {  	_ = 	snop  }
0x3b: {  	_ = 	snop  }
0x3c: {  	p2 =	seq.s32 s10, $0x1;
	s10 =	sld [smem:$0x3FBA]  }
0x3d: {  	_ =	shalt  }
0x3e: {  	_ =	shalt  }
0x3f: {  	_ =	shalt  }
0x40: {  	_ =	shalt  }
0x41: {  	_ =	shalt  }
0x42: {  	_ =	shalt  }
0x43: {  	_ =	shalt  }
0x44: {  	_ =	shalt  }
0x45: {  	_ =	shalt  }
0x46: {  	_ =	shalt  }
0x47: {  	_ =	shalt  }
0x48: {  	_ =	shalt  }
0x49: {  	_ =	shalt  }
0x4a: {  	_ =	shalt  }
0x4b: {  	_ =	shalt  }
0x4c: {  	_ =	shalt  }
0x4d: {  	_ =	shalt  }
0x4e: {  	_ =	shalt  }
0x4f: {  	_ =	shalt  }
0x50: {  	_ =	shalt  }
0x51: {  	_ =	shalt  }
0x52: {  	_ =	shalt  }
0x53: {  	_ =	shalt  }
0x54: {  	_ =	shalt  }
0x55: {  	_ =	shalt  }
0x56: {  	_ =	shalt  }
0x57: {  	_ =	shalt  }
0x58: {  	_ =	shalt  }
0x59: {  	_ =	shalt  }
0x5a: {  	_ =	shalt  }
0x5b: {  	_ =	shalt  }
0x5c: {  	_ =	shalt  }
0x5d: {  	_ =	shalt  }
0x5e: {  	_ =	shalt  }
0x5f: {  	_ =	shalt  }
0x60: {  	_ =	shalt  }
0x61: {  	_ =	shalt  }
0x62: {  	_ =	shalt  }
0x63: {  	_ =	shalt  }
0x64: {  	_ =	shalt  }
0x65: {  	_ =	shalt  }
0x66: {  	_ =	shalt  }
0x67: {  	_ =	shalt  }
0x68: {  	_ =	shalt  }
0x69: {  	_ =	shalt  }
0x6a: {  	_ =	shalt  }
0x6b: {  	_ =	shalt  }
0x6c: {  	_ =	shalt  }
0x6d: {  	_ =	shalt  }
0x6e: {  	_ =	shalt  }
0x6f: {  	_ =	shalt  }
0x70: {  	_ =	shalt  }
0x71: {  	_ =	shalt  }
0x72: {  	_ =	shalt  }
0x73: {  	_ =	shalt  }
0x74: {  	_ =	shalt  }
0x75: {  	_ =	shalt  }
0x76: {  	_ =	shalt  }
0x77: {  	_ =	shalt  }
0x78: {  	_ =	shalt  }
0x79: {  	_ =	shalt  }
0x7a: {  	_ =	shalt  }
0x7b: {  	_ =	shalt  }
0x7c: {  	_ =	shalt  }
0x7d: {  	_ =	shalt  }
0x7e: {  	_ =	shalt  }
0x7f: {  	_ =	shalt  }
0x80: {  	_ =	shalt  }
0x81: {  	_ =	shalt  }
0x82: {  	_ =	shalt  }
0x83: {  	_ =	shalt  }
0x84: {  	_ =	shalt  }
0x85: {  	_ =	shalt  }
0x86: {  	_ =	shalt  }
0x87: {  	_ =	shalt  }
.Lfunc_end0:
.L_simem_size_0:
called_computation_lowered:
.L_overlay_start_0:
0x88: {  	s2 =	sld [smem:$0x3FD9]  }
0x89: {  	s3 =	sld [smem:$0x3FFE];
	_ =	sdelay $0x1  }
0x8a: {  	s1 =	srdreg.scid  }
0x8b: {  	s0 =	sand.u32 $0x1, s1  }
0x8c: {  	s14 =	sshll.u32 s0, $0xA;
	s2 =	sadd.s32 s3, s2  }
0x8d: {  	s2 =	sadd.s32 s2, s14  }
0x8e: {  	[smem:$0x3FC6] =	sst s2  }
0x8f: {  	_ = 	snop  }
0x90: {  	s2 =	sld [smem:$0x3FD0];
	_ =	sdelay $0x2  }
0x91: {  	s15 =	simm.s32 $0xA;
	s4 =	simm.s32 $0x10  }
0x92: {  	[smem:s4], [sflag:s15] =	dma.local [hbm:s2], $0x1  }
0x93: {  	_ =	swait.eq [sflag:s15], $0x1  }
0x94: {  	[sflag:s15] =	ssyncset.done $0x0  }
0x95: {  	[sflag:s15] =	ssyncadd.s32 $0xFFFFFFFF  }
0x96: {  	s16 =	sld [smem:$0x10];
	(tm) =	ssettm $0x1  }
0x97: {  	s17 =	sld [smem:$0x3FFB];
	_ =	sdelay $0x3  }
0x98: {  	_ =	strace s17  }
0x99: {  	s3 =	sld [smem:$0x3FFC];
	_ =	sdelay $0x3  }
0x9a: {  	_ =	strace s3  }
0x9b: {  	s3 =	sld [smem:$0x3FFD];
	_ =	sdelay $0x3  }
0x9c: {  	_ =	strace s3  }
0x9d: {  	_ =	strace $0x8FFFFFFF  }
0x9e: {  	s18 =	sld [smem:$0x3FDB];
	_ =	sdelay $0x1  }
0x9f: {  	s19 =	simm.s32 $_scs_section_size  }
0xa0: {  	s5 =	simm.s32 $_size__tile_overlayer_lowered;
	s6 =	simm.s32 $_tile_overlayer_lowered  }
0xa1: {  	s22 =	simm.s32 $0x1BFF;
	s21 =	sshll.u32 s6, $0x1;
	s3 =	sadd.s32 s19, s18  }
0xa2: {  	s7 =	simm.s32 $0x0;
	s20 =	sshll.u32 s5, $0x1;
	s5 =	sadd.s32 s21, s3  }
0xa3: {  	[timem:s7], [sflag:s22] =	dma.local [hbm:s5], s20  }
0xa4: {  	_ =	swait.ge [sflag:s22], s20  }
0xa5: {  	s4 =	ssub.s32 $0x0, s20;
	[sflag:s22] =	ssyncset.done $0x0  }
0xa6: {  	[sflag:s22] =	ssyncadd.s32 s4;
	_ =	sdelay $0x1  }
0xa7: {  	s23 =	simm.s32 $0x1B8B  }
0xa8: {  	_ =	swait.ge [sflag:s23], $0x1  }
0xa9: {  	[sflag:s23] =	ssyncset.done $0x0  }
0xaa: {  	s25 =	simm.s32 $0x1B8E;
	s24 =	sld [smem:$0x3FFE];
	[sflag:s23] =	ssyncadd.s32 $0xFFFFFFFF  }
0xab: {  	s26 =	simm.s32 $execute0_lowered;
	[smem:$0x3FD2] =	sst s25  }
0xac: {  	s5 =	sshll.u32 s26, $0x1;
	_ =	strace $0x80000046;
	[dreg:$0x1] =	wrdreg $0xFFFFFFFF  }
0xad: {  	s28 =	simm.s32 $_size_execute0_lowered;
	s3 =	sadd.s32 s3, s5;
	[dreg:$0x0] =	wrdreg $0x0  }
0xae: {  	s5 =	sshll.u32 s28, $0x1;
	[dreg:$0x2] =	wrdreg s3  }
0xaf: {  	[dreg:$0x3] =	wrdreg s5  }
0xb0: {  	[dreg:$0x4] =	wrdreg $0xC0  }
0xb1: {  	_ =	task [dreg:s7], $0x5FFFF  }
0xb2: {  	[dreg:$0x1] =	wrdreg $0xFFFFFFFF  }
0xb3: {  	[dreg:$0x0] =	wrdreg $0x60  }
0xb4: {  	[dreg:$0x2] =	wrdreg s24  }
0xb5: {  	[dreg:$0x3] =	wrdreg s16  }
0xb6: {  	[dreg:$0x4] =	wrdreg $0x44800  }
0xb7: {  	[dreg:$0x5] =	wrdreg $0x9  }
0xb8: {  	_ =	task.clear_ibuf [dreg:s7], $0x6FFFF;
	_ =	strace $0x90000046  }
0xb9: {  	s29 =	simm.s32 $0x9;
	_ =	strace $0x80000048  }
0xba: {  	_ =	swait.ge [sflag:s29], $0x1  }
0xbb: {  	[sflag:s29] =	ssyncadd.s32 $0xFFFFFFFF  }
0xbc: {  	_ =	strace $0x90000048  }
0xbd: {  	_ =	sfence  }
0xbe: {  	s30 =	sld [smem:$0x0];
	_ =	sdelay $0x2  }
0xbf: {  	s31 =	sshll.u32 s1, $0xD;
	s1 =	sshrl.u32 s1, $0x2  }
0xc0: {  	s3 =	sand.u32 $0x4000, s31;
	s1 =	sadd.s32 s1, s30  }
0xc1: {  	s0 =	sor.u32 s3, s0;
	s1 =	sshll.u32 s1, $0x11  }
0xc2: {  	s0 =	sor.u32 s1, s0  }
0xc3: {  	s0 =	sadd.s32 $0x8F2B, s0  }
0xc4: {  	[sflag:s0] =	ssyncadd.remote.s32 $0x1  }
0xc5: {  	_ =	sfence.sel $0xFFFF  }
0xc6: {  	[dreg:$0x0] =	wrdreg $0xFFFFFFFF;
	(pc) =	sbr.abs _section_cstart, $3  }
0xc7: {  	[dreg:$0x1] =	wrdreg $0xFFFFFFFF  }
0xc8: {  	_ =	task.clear_ibuf [dreg:s7], $0x2FFFF;
	_ =	strace $0x9FFFFFFF  }
0xc9: {  	(tm) =	ssettm $0x7FFFFFFF  }
tec
execute0_lowered:
.L_overlay_start_1:
0x0: {  	(tag) =	ssettag $0x1  }
0x1: {  	s0 =	srdreg.scid  }
0x2: {  	s5 =	rddreg [dreg:$0x0];
	s16 =	sand.u32 $0x1, s0  }
0x3: {  	s15 =	rddreg [dreg:$0x1];
	s0 =	stileid.u32;
	s1 =	sshll.u32 s16, $0x4  }
0x4: {  	s4 =	rddreg [dreg:$0x2];
	s2 =	simm.s32 $0x0;
	s17 =	sor.u32 s0, s1  }
0x5: {  	[smem:$0x7FF] =	sst s2;
	s3 =	sshll.u32 s17, $0x6  }
0x6: {  	s1 =	rddreg [dreg:$0x3];
	s18 =	sadd.s32 s3, s5  }
0x7: {  	_ =	strace $0x80000047;
	s3 =	simm.s32 $0x2;
	s8 =	sadd.s32 $0x9000, s18  }
0x8: {  	[tilespmem:s2], [sflag:$0x2] =	stream.linear.gather [hbm4b:s8+s2], $0x200, $0x38;
	[tilespmem:$0x4680] =	vst v63  }
0x9: {  	_ =	swait.ge [sflag:s3], $0x200  }
0xa: {  	s10 =	simm.s32 $0x200;
	[sflag:s3] =	ssyncset.done $0x0  }
0xb: {  	s9 =	sadd.s32 $0x1000, s5;
	s5 =	simm.s32 $0x80;
	[sflag:s3] =	ssyncadd.s32 $0xFFFFFE00  }
0xc: {  	[tilespmem:s10], [sflag:$0x1] =	stream.indirect.gather [hbm4b:s9+s5], $0x20, s2, s5, $0xb8;
	[tilespmem:$0x4680] =	vst v63  }
0xd: {  	s11 =	simm.s32 $0x1200  }
0xe: {  	[tilespmem:s11], [sflag:$0x1] =	stream.indirect.gather [hbm4b:s9+s5], $0x20, s5, s5, $0xb8;
	[tilespmem:$0x4680] =	vst v63  }
0xf: {  	s7 =	simm.s32 $0x100;
	s12 =	simm.s32 $0x2200  }
0x10: {  	[tilespmem:s12], [sflag:$0x1] =	stream.indirect.gather [hbm4b:s9+s5], $0x20, s7, s5, $0xb8;
	[tilespmem:$0x4680] =	vst v63  }
0x11: {  	s6 =	simm.s32 $0x180;
	s13 =	simm.s32 $0x3200;
	s14 =	simm.s32 $0x1  }
0x12: {  	[tilespmem:s13], [sflag:$0x1] =	stream.indirect.gather [hbm4b:s9+s5], $0x20, s6, s5, $0xb8;
	[tilespmem:$0x4680] =	vst v63  }
0x13: {  	_ =	swait.ge [sflag:s14], $0x1000  }
0x14: {  	[sflag:s14] =	ssyncset.done $0x0  }
0x15: {  	[sflag:s14] =	ssyncadd.s32 $0xFFFFF000  }
0x16: {  	_ =	swait.ge [sflag:s14], $0x1000  }
0x17: {  	[sflag:s14] =	ssyncset.done $0x0  }
0x18: {  	[sflag:s14] =	ssyncadd.s32 $0xFFFFF000  }
0x19: {  	_ =	swait.ge [sflag:s14], $0x1000  }
0x1a: {  	[sflag:s14] =	ssyncset.done $0x0  }
0x1b: {  	[sflag:s14] =	ssyncadd.s32 $0xFFFFF000  }
0x1c: {  	_ =	swait.ge [sflag:s14], $0x1000  }
0x1d: {  	s17 =	sshll.u32 s17, $0xB;
	[sflag:s14] =	ssyncset.done $0x0  }
0x1e: {  	s15 =	sadd.s32 s15, s17;
	[sflag:s14] =	ssyncadd.s32 $0xFFFFF000  }
0x1f: {  	[hbm4b:s15+s2] =	stream.linear.scatter [tilespmem:s10], [sflag:$0x2], $0x4000, $0x38;
	[tilespmem:$0x4680] =	vst v63  }
0x20: {  	_ =	swait.ge [sflag:s3], $0x4000  }
0x21: {  	[sflag:s3] =	ssyncset.done $0x0  }
0x22: {  	v1 =	vimm.f32 $1.000000000e+00;
	[sflag:s3] =	ssyncadd.s32 $0xFFFFC000  }
0x23: {  	[tilespmem:$0x4270] =	vst v1  }
0x24: {  	[tilespmem:$0x4260] =	vst v1  }
0x25: {  	[tilespmem:$0x4250] =	vst v1  }
0x26: {  	[tilespmem:$0x4240] =	vst v1  }
0x27: {  	[tilespmem:$0x4230] =	vst v1  }
0x28: {  	[tilespmem:$0x4220] =	vst v1  }
0x29: {  	[tilespmem:$0x4210] =	vst v1  }
0x2a: {  	v0 =	vimm.f32 $0.0e+00;
	[tilespmem:$0x4200] =	vst v1  }
0x2b: {  	[tilespmem:$0x4470] =	vst v0  }
0x2c: {  	[tilespmem:$0x4460] =	vst v0  }
0x2d: {  	[tilespmem:$0x4450] =	vst v0  }
0x2e: {  	[tilespmem:$0x4440] =	vst v0  }
0x2f: {  	[tilespmem:$0x4430] =	vst v0  }
0x30: {  	[tilespmem:$0x4420] =	vst v0  }
0x31: {  	[tilespmem:$0x4410] =	vst v0  }
0x32: {  	[tilespmem:$0x4400] =	vst v0  }
0x33: {  	[tilespmem:$0x43F0] =	vst v0  }
0x34: {  	[tilespmem:$0x43E0] =	vst v0  }
0x35: {  	[tilespmem:$0x43D0] =	vst v0  }
0x36: {  	[tilespmem:$0x43C0] =	vst v0  }
0x37: {  	s16 =	ssub.s32 $0x2, s16;
	[tilespmem:$0x43B0] =	vst v0  }
0x38: {  	s30 =	sshrl.u32 s16, $0x1;
	[tilespmem:$0x43A0] =	vst v0  }
0x39: {  	s16 =	ssub.s32 s16, s30;
	[tilespmem:$0x4390] =	vst v0  }
0x3a: {  	s20 =	smax.u32 s16, $0x1;
	[tilespmem:$0x4380] =	vst v0  }
0x3b: {  	p0 =	sne.s32 s20, $0x1;
	[tilespmem:$0x4370] =	vst v0  }
.Ltmp0:
0x3c: {  	[tilespmem:$0x4360] =	vst v0;
	(pc) =	sbr.rel @!p0 .LBB2_2-.Ltmp0, $4  }
0x3d: {  	[tilespmem:$0x4350] =	vst v0  }
0x3e: {  	s31 =	sshll.u32 s0, $0x9;
	[tilespmem:$0x4340] =	vst v0  }
0x3f: {  	s19 =	simm.s32 $0x4200;
	s17 =	sadd.s32 s31, s4;
	[tilespmem:$0x4330] =	vst v0  }
0x40: {  	s16 =	sadd.s32 $0x9800, s18;
	s18 =	simm.s32 $0x4280;
	s20 =	sadd.s32 $0xFFFFFFFF, s20;
	[tilespmem:$0x4320] =	vst v0  }
.LBB2_1:
0x41: {  	p0 =	sne.s32 s20, $0x1;
	s20 =	sadd.s32 $0xFFFFFFFF, s20;
	[tilespmem:$0x4310] =	vst v0  }
0x42: {  	[tilespmem:$0x4300] =	vst v0  }
0x43: {  	[tilespmem:$0x42F0] =	vst v0  }
0x44: {  	[tilespmem:$0x42E0] =	vst v0  }
0x45: {  	[tilespmem:$0x42D0] =	vst v0  }
0x46: {  	[tilespmem:$0x42C0] =	vst v0  }
0x47: {  	[tilespmem:$0x42B0] =	vst v0  }
0x48: {  	[tilespmem:$0x42A0] =	vst v0  }
0x49: {  	[tilespmem:$0x4280] =	vst v0  }
0x4a: {  	[tilespmem:$0x4290] =	vst v0  }
0x4b: {  	[spmem:s17] =	stream.linear.scatter [tilespmem:s18], [sflag:$0x2], $0x200, $0x38;
	[tilespmem:$0x4680] =	vst v63  }
0x4c: {  	_ =	swait.ge [sflag:s3], $0x200  }
0x4d: {  	[sflag:s3] =	ssyncset.done $0x0  }
0x4e: {  	[sflag:s3] =	ssyncadd.s32 $0xFFFFFE00  }
0x4f: {  	[bflag:$0x0] =	sbarrier.arrive $0xFFFF  }
0x50: {  	[spmem:s4] =	stream.indirect.scatter.add.f32 [tilespmem:s19], [sflag:$0x2], $0x1, s2, s5, $0xb8;
	[tilespmem:$0x4680] =	vst v63  }
0x51: {  	_ =	swait.ge [sflag:s3], $0x80  }
0x52: {  	[sflag:s3] =	ssyncset.done $0x0  }
0x53: {  	[sflag:s3] =	ssyncadd.s32 $0xFFFFFF80  }
0x54: {  	[spmem:s4] =	stream.indirect.scatter.add.f32 [tilespmem:s19], [sflag:$0x2], $0x1, s5, s5, $0xb8;
	[tilespmem:$0x4680] =	vst v63  }
0x55: {  	_ =	swait.ge [sflag:s3], $0x80  }
0x56: {  	[sflag:s3] =	ssyncset.done $0x0  }
0x57: {  	[sflag:s3] =	ssyncadd.s32 $0xFFFFFF80  }
0x58: {  	[spmem:s4] =	stream.indirect.scatter.add.f32 [tilespmem:s19], [sflag:$0x2], $0x1, s7, s5, $0xb8;
	[tilespmem:$0x4680] =	vst v63  }
0x59: {  	_ =	swait.ge [sflag:s3], $0x80  }
0x5a: {  	[sflag:s3] =	ssyncset.done $0x0  }
0x5b: {  	[sflag:s3] =	ssyncadd.s32 $0xFFFFFF80  }
0x5c: {  	[spmem:s4] =	stream.indirect.scatter.add.f32 [tilespmem:s19], [sflag:$0x2], $0x1, s6, s5, $0xb8;
	[tilespmem:$0x4680] =	vst v63  }
0x5d: {  	_ =	swait.ge [sflag:s3], $0x80  }
0x5e: {  	[sflag:s3] =	ssyncset.done $0x0  }
0x5f: {  	[sflag:s3] =	ssyncadd.s32 $0xFFFFFF80  }
0x60: {  	[bflag:$0x0] =	sbarrier.arrive $0xFFFF  }
0x61: {  	[tilespmem:s18], [sflag:$0x2] =	stream.linear.gather [spmem:s17], $0x200, $0x38;
	[tilespmem:$0x4680] =	vst v63  }
0x62: {  	_ =	swait.ge [sflag:s3], $0x200  }
0x63: {  	[sflag:s3] =	ssyncset.done $0x0  }
0x64: {  	[sflag:s3] =	ssyncadd.s32 $0xFFFFFE00  }
0x65: {  	[hbm4b:s16+s2] =	stream.linear.scatter [tilespmem:s18], [sflag:$0x2], $0x200, $0x38;
	[tilespmem:$0x4680] =	vst v63  }
0x66: {  	_ =	swait.ge [sflag:s3], $0x200  }
0x67: {  	[sflag:s3] =	ssyncset.done $0x0  }
0x68: {  	[sflag:s3] =	ssyncadd.s32 $0xFFFFFE00  }
0x69: {  	[tilespmem:s2], [sflag:$0x2] =	stream.linear.gather [hbm4b:s8+s2], $0x200, $0x38;
	[tilespmem:$0x4680] =	vst v63  }
0x6a: {  	_ =	swait.ge [sflag:s3], $0x200  }
0x6b: {  	[sflag:s3] =	ssyncset.done $0x0  }
0x6c: {  	[sflag:s3] =	ssyncadd.s32 $0xFFFFFE00  }
0x6d: {  	[tilespmem:s10], [sflag:$0x1] =	stream.indirect.gather [hbm4b:s9+s5], $0x20, s2, s5, $0xb8;
	[tilespmem:$0x4680] =	vst v63  }
0x6e: {  	_ = 	snop  }
0x6f: {  	[tilespmem:s11], [sflag:$0x1] =	stream.indirect.gather [hbm4b:s9+s5], $0x20, s5, s5, $0xb8;
	[tilespmem:$0x4680] =	vst v63  }
0x70: {  	_ = 	snop  }
0x71: {  	[tilespmem:s12], [sflag:$0x1] =	stream.indirect.gather [hbm4b:s9+s5], $0x20, s7, s5, $0xb8;
	[tilespmem:$0x4680] =	vst v63  }
0x72: {  	_ = 	snop  }
0x73: {  	[tilespmem:s13], [sflag:$0x1] =	stream.indirect.gather [hbm4b:s9+s5], $0x20, s6, s5, $0xb8;
	[tilespmem:$0x4680] =	vst v63  }
0x74: {  	_ =	swait.ge [sflag:s14], $0x1000  }
0x75: {  	[sflag:s14] =	ssyncset.done $0x0  }
0x76: {  	[sflag:s14] =	ssyncadd.s32 $0xFFFFF000  }
0x77: {  	_ =	swait.ge [sflag:s14], $0x1000  }
0x78: {  	[sflag:s14] =	ssyncset.done $0x0  }
0x79: {  	[sflag:s14] =	ssyncadd.s32 $0xFFFFF000  }
0x7a: {  	_ =	swait.ge [sflag:s14], $0x1000  }
0x7b: {  	[sflag:s14] =	ssyncset.done $0x0  }
0x7c: {  	[sflag:s14] =	ssyncadd.s32 $0xFFFFF000  }
0x7d: {  	_ =	swait.ge [sflag:s14], $0x1000  }
0x7e: {  	[sflag:s14] =	ssyncset.done $0x0  }
0x7f: {  	[sflag:s14] =	ssyncadd.s32 $0xFFFFF000  }
0x80: {  	[hbm4b:s15+s2] =	stream.linear.scatter [tilespmem:s10], [sflag:$0x2], $0x4000, $0x38;
	[tilespmem:$0x4680] =	vst v63  }
0x81: {  	_ =	swait.ge [sflag:s3], $0x4000  }
0x82: {  	[sflag:s3] =	ssyncset.done $0x0  }
0x83: {  	[sflag:s3] =	ssyncadd.s32 $0xFFFFC000  }
0x84: {  	[tilespmem:$0x4270] =	vst v1  }
0x85: {  	[tilespmem:$0x4260] =	vst v1  }
0x86: {  	[tilespmem:$0x4250] =	vst v1  }
0x87: {  	[tilespmem:$0x4240] =	vst v1  }
0x88: {  	[tilespmem:$0x4230] =	vst v1  }
0x89: {  	[tilespmem:$0x4220] =	vst v1  }
0x8a: {  	[tilespmem:$0x4210] =	vst v1  }
0x8b: {  	[tilespmem:$0x4200] =	vst v1  }
0x8c: {  	[tilespmem:$0x4470] =	vst v0  }
0x8d: {  	[tilespmem:$0x4460] =	vst v0  }
0x8e: {  	[tilespmem:$0x4450] =	vst v0  }
0x8f: {  	[tilespmem:$0x4440] =	vst v0  }
0x90: {  	[tilespmem:$0x4430] =	vst v0  }
0x91: {  	[tilespmem:$0x4420] =	vst v0  }
0x92: {  	[tilespmem:$0x4410] =	vst v0  }
0x93: {  	[tilespmem:$0x4400] =	vst v0  }
0x94: {  	[tilespmem:$0x43F0] =	vst v0  }
0x95: {  	[tilespmem:$0x43E0] =	vst v0  }
0x96: {  	[tilespmem:$0x43D0] =	vst v0  }
0x97: {  	[tilespmem:$0x43C0] =	vst v0  }
0x98: {  	[tilespmem:$0x43B0] =	vst v0  }
0x99: {  	[tilespmem:$0x43A0] =	vst v0  }
0x9a: {  	[tilespmem:$0x4390] =	vst v0  }
0x9b: {  	[tilespmem:$0x4380] =	vst v0  }
0x9c: {  	[tilespmem:$0x4370] =	vst v0  }
.Ltmp1:
0x9d: {  	[tilespmem:$0x4360] =	vst v0;
	(pc) =	sbr.rel @p0 .LBB2_1-.Ltmp1, $4  }
0x9e: {  	[tilespmem:$0x4350] =	vst v0  }
0x9f: {  	[tilespmem:$0x4340] =	vst v0  }
0xa0: {  	[tilespmem:$0x4330] =	vst v0  }
0xa1: {  	[tilespmem:$0x4320] =	vst v0  }
.LBB2_2:
0xa2: {  	[tilespmem:$0x4310] =	vst v0  }
0xa3: {  	[tilespmem:$0x4300] =	vst v0  }
0xa4: {  	[tilespmem:$0x42F0] =	vst v0  }
0xa5: {  	[tilespmem:$0x42E0] =	vst v0  }
0xa6: {  	[tilespmem:$0x42D0] =	vst v0  }
0xa7: {  	[tilespmem:$0x42C0] =	vst v0  }
0xa8: {  	[tilespmem:$0x42B0] =	vst v0  }
0xa9: {  	[tilespmem:$0x42A0] =	vst v0  }
0xaa: {  	[tilespmem:$0x4280] =	vst v0  }
0xab: {  	[tilespmem:$0x4290] =	vst v0  }
0xac: {  	[spmem:s17] =	stream.linear.scatter [tilespmem:s18], [sflag:$0x2], $0x200, $0x38;
	[tilespmem:$0x4680] =	vst v63  }
0xad: {  	_ =	swait.ge [sflag:s3], $0x200  }
0xae: {  	[sflag:s3] =	ssyncset.done $0x0  }
0xaf: {  	[sflag:s3] =	ssyncadd.s32 $0xFFFFFE00  }
0xb0: {  	[bflag:$0x0] =	sbarrier.arrive $0xFFFF  }
0xb1: {  	[spmem:s4] =	stream.indirect.scatter.add.f32 [tilespmem:s19], [sflag:$0x2], $0x1, s2, s5, $0xb8;
	[tilespmem:$0x4680] =	vst v63  }
0xb2: {  	_ =	swait.ge [sflag:s3], $0x80  }
0xb3: {  	[sflag:s3] =	ssyncset.done $0x0  }
0xb4: {  	[sflag:s3] =	ssyncadd.s32 $0xFFFFFF80  }
0xb5: {  	[spmem:s4] =	stream.indirect.scatter.add.f32 [tilespmem:s19], [sflag:$0x2], $0x1, s5, s5, $0xb8;
	[tilespmem:$0x4680] =	vst v63  }
0xb6: {  	_ =	swait.ge [sflag:s3], $0x80  }
0xb7: {  	[sflag:s3] =	ssyncset.done $0x0  }
0xb8: {  	[sflag:s3] =	ssyncadd.s32 $0xFFFFFF80  }
0xb9: {  	[spmem:s4] =	stream.indirect.scatter.add.f32 [tilespmem:s19], [sflag:$0x2], $0x1, s7, s5, $0xb8;
	[tilespmem:$0x4680] =	vst v63  }
0xba: {  	_ =	swait.ge [sflag:s3], $0x80  }
0xbb: {  	[sflag:s3] =	ssyncset.done $0x0  }
0xbc: {  	[sflag:s3] =	ssyncadd.s32 $0xFFFFFF80  }
0xbd: {  	[spmem:s4] =	stream.indirect.scatter.add.f32 [tilespmem:s19], [sflag:$0x2], $0x1, s6, s5, $0xb8;
	[tilespmem:$0x4680] =	vst v63  }
0xbe: {  	_ =	swait.ge [sflag:s3], $0x80  }
0xbf: {  	[sflag:s3] =	ssyncset.done $0x0  }
0xc0: {  	[sflag:s3] =	ssyncadd.s32 $0xFFFFFF80  }
0xc1: {  	[bflag:$0x0] =	sbarrier.arrive $0xFFFF  }
0xc2: {  	[tilespmem:s18], [sflag:$0x2] =	stream.linear.gather [spmem:s17], $0x200, $0x38;
	[tilespmem:$0x4680] =	vst v63  }
0xc3: {  	_ =	swait.ge [sflag:s3], $0x200  }
0xc4: {  	[sflag:s3] =	ssyncset.done $0x0  }
0xc5: {  	[sflag:s3] =	ssyncadd.s32 $0xFFFFFE00  }
0xc6: {  	[hbm4b:s16+s2] =	stream.linear.scatter [tilespmem:s18], [sflag:$0x2], $0x200, $0x38;
	[tilespmem:$0x4680] =	vst v63  }
0xc7: {  	_ =	swait.ge [sflag:s3], $0x200  }
0xc8: {  	[sflag:s3] =	ssyncset.done $0x0  }
0xc9: {  	[sflag:s3] =	ssyncadd.s32 $0xFFFFFE00  }
0xca: {  	_ =	sfence.sel $0x180000  }
0xcb: {  	[bflag:$0x0] =	sbarrier.arrive $0xFFFF  }
0xcc: {  	p0 =	sne.s32 s0, $0x0;
	_ =	strace $0x90000047  }
0xcd: {  	s0 =	sadd.s32 @!p0 $0x100000, s1;
	[bflag:$0x2] =	sbarrier.arrive $0xFFFF  }
0xce: {  	[sflag:s0] =	ssyncadd.tile.s32 @!p0 $0x1;
	_ =	shalt  }
.Lfunc_end2:
_tile_overlayer_lowered:
.L_overlay_start_2:
0xcf: {  	(tag) =	ssettag $0x2  }
0xd0: {  	s0 =	rddreg [dreg:$0x0];
	s2 =	stileid.u32  }
0xd1: {  	s1 =	rddreg [dreg:$0x1];
	p0 =	sne.s32 s2, $0x0  }
0xd2: {  	s3 =	rddreg [dreg:$0x2];
	[bflag:$0x3] =	sbarrier.arrive $0xFFFF;
	s2 =	simm.s32 @!p0 $0x1C02  }
0xd3: {  	[timem:s3], [sflag:s2] =	dma.local @!p0 [hbm:s0], s1  }
0xd4: {  	s0 =	simm.s32 @!p0 $0x2  }
0xd5: {  	_ =	swait.ge @!p0 [sflag:s0], s1  }
0xd6: {  	s1 =	ssub.s32 @!p0 $0x0, s1;
	[sflag:s0] =	ssyncset.done @!p0 $0x0  }
0xd7: {  	[sflag:s0] =	ssyncadd.s32 @!p0 s1  }
0xd8: {  	[bflag:$0x3] =	sbarrier.arrive $0xFFFF  }
0xd9: {  	_ =	shalt  }

</sc_bundles>
